<compile_context>
chip_gen: v7x
topology: tpu7x:2x2x1
jax: 0.10.2.dev20260603
libtpu: 0.0.44.dev20260713+nightly
codegen_flags: <defaults>
</compile_context>

<pallas_src>
import functools

import jax
import jax.numpy as jnp
from jax import lax
from jax.experimental import pallas as pl
from jax.experimental.pallas import tpu as pltpu
from jax.experimental.pallas import tpu_sc as plsc

VOC = 100000
DIM = 64
SEQ = 50
BN = 4096
NC = 2
NS = 16
NW = NC * NS
D_PER_W = DIM // NW
PAIRS = SEQ // 2

_mesh = plsc.VectorSubcoreMesh(core_axis_name="c", subcore_axis_name="s")


@functools.partial(
    pl.kernel,
    mesh=_mesh,
    out_type=jax.ShapeDtypeStruct((SEQ, DIM, BN), jnp.float32),
    compiler_params=pltpu.CompilerParams(
        needs_layout_passes=False,
        disable_bounds_checks=True,
        disable_semaphore_checks=True,
    ),
    scratch_types=[
        pltpu.VMEM((VOC,), jnp.float32),
        [pltpu.VMEM((BN,), jnp.int32) for _ in range(2)],
        [pltpu.VMEM((BN,), jnp.float32) for _ in range(2)],
        pltpu.VMEM_SHARED((SEQ * BN,), jnp.int32),
        pltpu.SemaphoreType.DMA,
        [pltpu.SemaphoreType.DMA for _ in range(2)],
        [pltpu.SemaphoreType.DMA for _ in range(2)],
    ],
)
def _embed(xt_hbm, tablet_hbm, out_hbm, trow, xrows, orows, x_sp, tsem, xsems, wsems):
    sid = lax.axis_index("s")
    wid = sid * NC + lax.axis_index("c")

    tcp0 = pltpu.async_copy(tablet_hbm.at[wid * D_PER_W], trow, tsem)

    for k in range((SEQ + NS - 1) // NS):
        t_load = k * NS + sid

        @pl.when(t_load < SEQ)
        def _load_x():
            pltpu.sync_copy(xt_hbm.at[t_load], x_sp.at[pl.ds(t_load * BN, BN)])

    plsc.subcore_barrier()

    def _drain_x(b):
        pltpu.make_async_copy(xt_hbm.at[0], xrows[b], xsems[b]).wait()

    def _drain_w(b):
        pltpu.make_async_copy(orows[b], out_hbm.at[0, 0], wsems[b]).wait()

    for dd in range(D_PER_W):
        d = wid * D_PER_W + dd
        tcp = tcp0 if dd == 0 else pltpu.async_copy(tablet_hbm.at[d], trow, tsem)
        pltpu.async_copy(x_sp.at[pl.ds(0, BN)], xrows[0], xsems[0])
        pltpu.async_copy(x_sp.at[pl.ds(BN, BN)], xrows[1], xsems[1])
        tcp.wait()
        first_phase = dd == 0

        def _pair(i, carry):
            for b in range(2):
                t = 2 * i + b
                _drain_x(b)
                if first_phase:

                    @pl.when(i > 0)
                    def _wait_prev_write():
                        _drain_w(b)

                else:
                    _drain_w(b)
                xrow = xrows[b]
                orow = orows[b]

                @plsc.parallel_loop(0, BN, 16, unroll=16)
                def _gather(j):
                    idx = xrow[pl.ds(j, 16)]
                    orow[pl.ds(j, 16)] = plsc.load_gather(trow, [idx])

                pltpu.async_copy(orow, out_hbm.at[t, d], wsems[b])

                @pl.when(i + 1 < PAIRS)
                def _prefetch_x():
                    pltpu.async_copy(
                        x_sp.at[pl.ds((t + 2) * BN, BN)], xrows[b], xsems[b]
                    )

            return carry

        lax.fori_loop(0, PAIRS, _pair, 0)
    _drain_w(0)
    _drain_w(1)


def kernel(x, table):
    out_t = _embed(x.T, table.T)
    return jnp.transpose(out_t, (2, 0, 1))

# --- scband reference (transcript-rebuilt; emitter-appended) ---
"""Pipeline reference for scband-word-embedder-45045617000891 (READ-ONLY COPY).

The authoritative reference and input builder live on the scoring server;
editing this copy changes nothing except your own understanding.
"""

import jax, jax.numpy as jnp
import numpy as np

VOCAB = 100000
DIM = 64
PAD_IDX = 0

def setup_inputs(seed: int = 0) -> dict:
    key = jax.random.key(seed)
    k1, k2 = jax.random.split(key)
    x = jax.random.randint(k1, (4096, 50), 0, VOCAB, dtype=jnp.int64 if jax.config.jax_enable_x64 else jnp.int32)
    # embedding table (kaiming-style normal init); padding row zeroed like nn.Embedding(padding_idx=PAD_IDX)
    table = jax.random.normal(k2, (VOCAB, DIM), dtype=jnp.float32)
    table = table.at[PAD_IDX].set(0.0)
    return {"x": x, "table": table}

def reference(x, table):
    # nn.Embedding forward: gather rows of the table by token id.
    # padding_idx row is zero (set at init), so plain gather is faithful.
    return jnp.take(table, x, axis=0)

if __name__ == "__main__":
    import jax
    _d = setup_inputs()
    print(jax.jit(kernel)(*tuple(_d.values())))

</pallas_src>

<mosaic_0001>
#map = affine_map<(d0, d1) -> (0, 0)>
#map1 = affine_map<(d0, d1) -> (0, 0, 0)>
module attributes {stable_mosaic.version = 14 : i64} {
  func.func @_embed(%arg0: i32, %arg1: i32, %arg2: memref<50x4096xi32, #tpu.memory_space<hbm>>, %arg3: memref<64x100000xf32, #tpu.memory_space<hbm>>, %arg4: memref<50x64x4096xf32, #tpu.memory_space<hbm>>, %arg5: memref<100000xf32, #tpu.memory_space<vmem>>, %arg6: memref<4096xi32, #tpu.memory_space<vmem>>, %arg7: memref<4096xi32, #tpu.memory_space<vmem>>, %arg8: memref<4096xf32, #tpu.memory_space<vmem>>, %arg9: memref<4096xf32, #tpu.memory_space<vmem>>, %arg10: memref<204800xi32, #tpu.memory_space<vmem_shared>>, %arg11: memref<!tpu.dma_semaphore, #tpu.memory_space<semaphore_mem>>, %arg12: memref<!tpu.dma_semaphore, #tpu.memory_space<semaphore_mem>>, %arg13: memref<!tpu.dma_semaphore, #tpu.memory_space<semaphore_mem>>, %arg14: memref<!tpu.dma_semaphore, #tpu.memory_space<semaphore_mem>>, %arg15: memref<!tpu.dma_semaphore, #tpu.memory_space<semaphore_mem>>) attributes {dimension_semantics = [#tpu.dimension_semantics<core_parallel>, #tpu.dimension_semantics<subcore_parallel>], iteration_bounds = array<i64: 2, 16>, scalar_prefetch = 0 : i64, scratch_operands = 11 : i64, tpu.core_type = #tpu.core_type<sc_vector_subcore>, window_params = [{transform_indices = #map}, {transform_indices = #map}, {transform_indices = #map1}]} {
    %mul3A = arith.constant 2 : i32
    %mul3A_0 = arith.muli %arg1, %mul3A : i32
    %add3A = arith.addi %mul3A_0, %arg0 : i32
    %mul3A_1 = arith.constant 2 : i32
    %mul3A_2 = arith.muli %add3A, %mul3A_1 : i32
    %dma_start3A = arith.constant 0 : i32
    %dma_start3A_3 = tpu.memref_slice %arg3[%mul3A_2, %dma_start3A] : memref<64x100000xf32, #tpu.memory_space<hbm>> -> memref<1x100000xf32, #tpu.memory_space<hbm>>
    %dma_start3A_4 = tpu.memref_squeeze %dma_start3A_3 : memref<1x100000xf32, #tpu.memory_space<hbm>> -> memref<100000xf32, #tpu.memory_space<hbm>>
    %dma_start3A_5 = arith.constant 0 : i32
    %dma_start3A_6 = tpu.memref_slice %arg3[%mul3A_2, %dma_start3A_5] : memref<64x100000xf32, #tpu.memory_space<hbm>> -> memref<1x100000xf32, #tpu.memory_space<hbm>>
    %dma_start3A_7 = tpu.memref_squeeze %dma_start3A_6 : memref<1x100000xf32, #tpu.memory_space<hbm>> -> memref<100000xf32, #tpu.memory_space<hbm>>
    tpu.enqueue_dma source(%dma_start3A_7 : memref<100000xf32, #tpu.memory_space<hbm>>) target(%arg5 : memref<100000xf32, #tpu.memory_space<vmem>>) target_semaphore(%arg11 : memref<!tpu.dma_semaphore, #tpu.memory_space<semaphore_mem>>)
    %add3A_8 = arith.constant 0 : i32
    %add3A_9 = arith.addi %add3A_8, %arg1 : i32
    %lt3A = arith.constant 50 : i32
    %lt3A_10 = arith.cmpi slt, %add3A_9, %lt3A : i32
    %convert_element_type3A = arith.extui %lt3A_10 : i1 to i32
    %cond3A = arith.constant 0 : i32
    %cond3A_11 = arith.cmpi ne, %convert_element_type3A, %cond3A : i32
    scf.if %cond3A_11 {
      %mul3A_101 = arith.constant 4096 : i32
      %mul3A_102 = arith.muli %add3A_9, %mul3A_101 : i32
      "tpu.region"() ({
        %run_scoped3A = tpu.sem_alloc : memref<!tpu.dma_semaphore, #tpu.memory_space<semaphore_mem>>
        %dma_start3A_103 = tpu.memref_slice %arg10[%mul3A_102] : memref<204800xi32, #tpu.memory_space<vmem_shared>> -> memref<4096xi32, #tpu.memory_space<vmem_shared>>
        %dma_start3A_104 = arith.constant 0 : i32
        %dma_start3A_105 = tpu.memref_slice %arg2[%add3A_9, %dma_start3A_104] : memref<50x4096xi32, #tpu.memory_space<hbm>> -> memref<1x4096xi32, #tpu.memory_space<hbm>>
        %dma_start3A_106 = tpu.memref_squeeze %dma_start3A_105 : memref<1x4096xi32, #tpu.memory_space<hbm>> -> memref<4096xi32, #tpu.memory_space<hbm>>
        tpu.enqueue_dma source(%dma_start3A_106 : memref<4096xi32, #tpu.memory_space<hbm>>) target(%dma_start3A_103 : memref<4096xi32, #tpu.memory_space<vmem_shared>>) target_semaphore(%run_scoped3A : memref<!tpu.dma_semaphore, #tpu.memory_space<semaphore_mem>>)
        %dma_wait3A_107 = tpu.memref_slice %arg10[%mul3A_102] : memref<204800xi32, #tpu.memory_space<vmem_shared>> -> memref<4096xi32, #tpu.memory_space<vmem_shared>>
        %dma_wait3A_108 = arith.constant 0 : i32
        %dma_wait3A_109 = tpu.memref_slice %arg2[%add3A_9, %dma_wait3A_108] : memref<50x4096xi32, #tpu.memory_space<hbm>> -> memref<1x4096xi32, #tpu.memory_space<hbm>>
        %dma_wait3A_110 = tpu.memref_squeeze %dma_wait3A_109 : memref<1x4096xi32, #tpu.memory_space<hbm>> -> memref<4096xi32, #tpu.memory_space<hbm>>
        tpu.wait_dma2 semaphore(%run_scoped3A : memref<!tpu.dma_semaphore, #tpu.memory_space<semaphore_mem>>) src(%dma_wait3A_110 : memref<4096xi32, #tpu.memory_space<hbm>>) dst(%dma_wait3A_107 : memref<4096xi32, #tpu.memory_space<vmem_shared>>)
        tpu.yield
      }) : () -> ()
    } else {
    }
    %add3A_12 = arith.constant 16 : i32
    %add3A_13 = arith.addi %add3A_12, %arg1 : i32
    %lt3A_14 = arith.constant 50 : i32
    %lt3A_15 = arith.cmpi slt, %add3A_13, %lt3A_14 : i32
    %convert_element_type3A_16 = arith.extui %lt3A_15 : i1 to i32
    %cond3A_17 = arith.constant 0 : i32
    %cond3A_18 = arith.cmpi ne, %convert_element_type3A_16, %cond3A_17 : i32
    scf.if %cond3A_18 {
      %mul3A_101 = arith.constant 4096 : i32
      %mul3A_102 = arith.muli %add3A_13, %mul3A_101 : i32
      "tpu.region"() ({
        %run_scoped3A = tpu.sem_alloc : memref<!tpu.dma_semaphore, #tpu.memory_space<semaphore_mem>>
        %dma_start3A_103 = tpu.memref_slice %arg10[%mul3A_102] : memref<204800xi32, #tpu.memory_space<vmem_shared>> -> memref<4096xi32, #tpu.memory_space<vmem_shared>>
        %dma_start3A_104 = arith.constant 0 : i32
        %dma_start3A_105 = tpu.memref_slice %arg2[%add3A_13, %dma_start3A_104] : memref<50x4096xi32, #tpu.memory_space<hbm>> -> memref<1x4096xi32, #tpu.memory_space<hbm>>
        %dma_start3A_106 = tpu.memref_squeeze %dma_start3A_105 : memref<1x4096xi32, #tpu.memory_space<hbm>> -> memref<4096xi32, #tpu.memory_space<hbm>>
        tpu.enqueue_dma source(%dma_start3A_106 : memref<4096xi32, #tpu.memory_space<hbm>>) target(%dma_start3A_103 : memref<4096xi32, #tpu.memory_space<vmem_shared>>) target_semaphore(%run_scoped3A : memref<!tpu.dma_semaphore, #tpu.memory_space<semaphore_mem>>)
        %dma_wait3A_107 = tpu.memref_slice %arg10[%mul3A_102] : memref<204800xi32, #tpu.memory_space<vmem_shared>> -> memref<4096xi32, #tpu.memory_space<vmem_shared>>
        %dma_wait3A_108 = arith.constant 0 : i32
        %dma_wait3A_109 = tpu.memref_slice %arg2[%add3A_13, %dma_wait3A_108] : memref<50x4096xi32, #tpu.memory_space<hbm>> -> memref<1x4096xi32, #tpu.memory_space<hbm>>
        %dma_wait3A_110 = tpu.memref_squeeze %dma_wait3A_109 : memref<1x4096xi32, #tpu.memory_space<hbm>> -> memref<4096xi32, #tpu.memory_space<hbm>>
        tpu.wait_dma2 semaphore(%run_scoped3A : memref<!tpu.dma_semaphore, #tpu.memory_space<semaphore_mem>>) src(%dma_wait3A_110 : memref<4096xi32, #tpu.memory_space<hbm>>) dst(%dma_wait3A_107 : memref<4096xi32, #tpu.memory_space<vmem_shared>>)
        tpu.yield
      }) : () -> ()
    } else {
    }
    %add3A_19 = arith.constant 32 : i32
    %add3A_20 = arith.addi %add3A_19, %arg1 : i32
    %lt3A_21 = arith.constant 50 : i32
    %lt3A_22 = arith.cmpi slt, %add3A_20, %lt3A_21 : i32
    %convert_element_type3A_23 = arith.extui %lt3A_22 : i1 to i32
    %cond3A_24 = arith.constant 0 : i32
    %cond3A_25 = arith.cmpi ne, %convert_element_type3A_23, %cond3A_24 : i32
    scf.if %cond3A_25 {
      %mul3A_101 = arith.constant 4096 : i32
      %mul3A_102 = arith.muli %add3A_20, %mul3A_101 : i32
      "tpu.region"() ({
        %run_scoped3A = tpu.sem_alloc : memref<!tpu.dma_semaphore, #tpu.memory_space<semaphore_mem>>
        %dma_start3A_103 = tpu.memref_slice %arg10[%mul3A_102] : memref<204800xi32, #tpu.memory_space<vmem_shared>> -> memref<4096xi32, #tpu.memory_space<vmem_shared>>
        %dma_start3A_104 = arith.constant 0 : i32
        %dma_start3A_105 = tpu.memref_slice %arg2[%add3A_20, %dma_start3A_104] : memref<50x4096xi32, #tpu.memory_space<hbm>> -> memref<1x4096xi32, #tpu.memory_space<hbm>>
        %dma_start3A_106 = tpu.memref_squeeze %dma_start3A_105 : memref<1x4096xi32, #tpu.memory_space<hbm>> -> memref<4096xi32, #tpu.memory_space<hbm>>
        tpu.enqueue_dma source(%dma_start3A_106 : memref<4096xi32, #tpu.memory_space<hbm>>) target(%dma_start3A_103 : memref<4096xi32, #tpu.memory_space<vmem_shared>>) target_semaphore(%run_scoped3A : memref<!tpu.dma_semaphore, #tpu.memory_space<semaphore_mem>>)
        %dma_wait3A_107 = tpu.memref_slice %arg10[%mul3A_102] : memref<204800xi32, #tpu.memory_space<vmem_shared>> -> memref<4096xi32, #tpu.memory_space<vmem_shared>>
        %dma_wait3A_108 = arith.constant 0 : i32
        %dma_wait3A_109 = tpu.memref_slice %arg2[%add3A_20, %dma_wait3A_108] : memref<50x4096xi32, #tpu.memory_space<hbm>> -> memref<1x4096xi32, #tpu.memory_space<hbm>>
        %dma_wait3A_110 = tpu.memref_squeeze %dma_wait3A_109 : memref<1x4096xi32, #tpu.memory_space<hbm>> -> memref<4096xi32, #tpu.memory_space<hbm>>
        tpu.wait_dma2 semaphore(%run_scoped3A : memref<!tpu.dma_semaphore, #tpu.memory_space<semaphore_mem>>) src(%dma_wait3A_110 : memref<4096xi32, #tpu.memory_space<hbm>>) dst(%dma_wait3A_107 : memref<4096xi32, #tpu.memory_space<vmem_shared>>)
        tpu.yield
      }) : () -> ()
    } else {
    }
    %add3A_26 = arith.constant 48 : i32
    %add3A_27 = arith.addi %add3A_26, %arg1 : i32
    %lt3A_28 = arith.constant 50 : i32
    %lt3A_29 = arith.cmpi slt, %add3A_27, %lt3A_28 : i32
    %convert_element_type3A_30 = arith.extui %lt3A_29 : i1 to i32
    %cond3A_31 = arith.constant 0 : i32
    %cond3A_32 = arith.cmpi ne, %convert_element_type3A_30, %cond3A_31 : i32
    scf.if %cond3A_32 {
      %mul3A_101 = arith.constant 4096 : i32
      %mul3A_102 = arith.muli %add3A_27, %mul3A_101 : i32
      "tpu.region"() ({
        %run_scoped3A = tpu.sem_alloc : memref<!tpu.dma_semaphore, #tpu.memory_space<semaphore_mem>>
        %dma_start3A_103 = tpu.memref_slice %arg10[%mul3A_102] : memref<204800xi32, #tpu.memory_space<vmem_shared>> -> memref<4096xi32, #tpu.memory_space<vmem_shared>>
        %dma_start3A_104 = arith.constant 0 : i32
        %dma_start3A_105 = tpu.memref_slice %arg2[%add3A_27, %dma_start3A_104] : memref<50x4096xi32, #tpu.memory_space<hbm>> -> memref<1x4096xi32, #tpu.memory_space<hbm>>
        %dma_start3A_106 = tpu.memref_squeeze %dma_start3A_105 : memref<1x4096xi32, #tpu.memory_space<hbm>> -> memref<4096xi32, #tpu.memory_space<hbm>>
        tpu.enqueue_dma source(%dma_start3A_106 : memref<4096xi32, #tpu.memory_space<hbm>>) target(%dma_start3A_103 : memref<4096xi32, #tpu.memory_space<vmem_shared>>) target_semaphore(%run_scoped3A : memref<!tpu.dma_semaphore, #tpu.memory_space<semaphore_mem>>)
        %dma_wait3A_107 = tpu.memref_slice %arg10[%mul3A_102] : memref<204800xi32, #tpu.memory_space<vmem_shared>> -> memref<4096xi32, #tpu.memory_space<vmem_shared>>
        %dma_wait3A_108 = arith.constant 0 : i32
        %dma_wait3A_109 = tpu.memref_slice %arg2[%add3A_27, %dma_wait3A_108] : memref<50x4096xi32, #tpu.memory_space<hbm>> -> memref<1x4096xi32, #tpu.memory_space<hbm>>
        %dma_wait3A_110 = tpu.memref_squeeze %dma_wait3A_109 : memref<1x4096xi32, #tpu.memory_space<hbm>> -> memref<4096xi32, #tpu.memory_space<hbm>>
        tpu.wait_dma2 semaphore(%run_scoped3A : memref<!tpu.dma_semaphore, #tpu.memory_space<semaphore_mem>>) src(%dma_wait3A_110 : memref<4096xi32, #tpu.memory_space<hbm>>) dst(%dma_wait3A_107 : memref<4096xi32, #tpu.memory_space<vmem_shared>>)
        tpu.yield
      }) : () -> ()
    } else {
    }
    %barrier3A = arith.constant 0 : index
    tpu.barrier barrier_id(%barrier3A)
    %mul3A_33 = arith.constant 2 : i32
    %mul3A_34 = arith.muli %add3A, %mul3A_33 : i32
    %add3A_35 = arith.constant 0 : i32
    %add3A_36 = arith.addi %mul3A_34, %add3A_35 : i32
    %dma_start3A_37 = arith.constant 0 : i32
    %dma_start3A_38 = tpu.memref_slice %arg10[%dma_start3A_37] : memref<204800xi32, #tpu.memory_space<vmem_shared>> -> memref<4096xi32, #tpu.memory_space<vmem_shared>>
    %dma_start3A_39 = arith.constant 0 : i32
    %dma_start3A_40 = tpu.memref_slice %arg10[%dma_start3A_39] : memref<204800xi32, #tpu.memory_space<vmem_shared>> -> memref<4096xi32, #tpu.memory_space<vmem_shared>>
    tpu.enqueue_dma source(%dma_start3A_40 : memref<4096xi32, #tpu.memory_space<vmem_shared>>) target(%arg6 : memref<4096xi32, #tpu.memory_space<vmem>>) target_semaphore(%arg12 : memref<!tpu.dma_semaphore, #tpu.memory_space<semaphore_mem>>)
    %dma_start3A_41 = arith.constant 4096 : i32
    %dma_start3A_42 = tpu.memref_slice %arg10[%dma_start3A_41] : memref<204800xi32, #tpu.memory_space<vmem_shared>> -> memref<4096xi32, #tpu.memory_space<vmem_shared>>
    %dma_start3A_43 = arith.constant 4096 : i32
    %dma_start3A_44 = tpu.memref_slice %arg10[%dma_start3A_43] : memref<204800xi32, #tpu.memory_space<vmem_shared>> -> memref<4096xi32, #tpu.memory_space<vmem_shared>>
    tpu.enqueue_dma source(%dma_start3A_44 : memref<4096xi32, #tpu.memory_space<vmem_shared>>) target(%arg7 : memref<4096xi32, #tpu.memory_space<vmem>>) target_semaphore(%arg13 : memref<!tpu.dma_semaphore, #tpu.memory_space<semaphore_mem>>)
    %dma_wait3A = arith.constant 0 : i32
    %dma_wait3A_45 = tpu.memref_slice %arg3[%mul3A_2, %dma_wait3A] : memref<64x100000xf32, #tpu.memory_space<hbm>> -> memref<1x100000xf32, #tpu.memory_space<hbm>>
    %dma_wait3A_46 = tpu.memref_squeeze %dma_wait3A_45 : memref<1x100000xf32, #tpu.memory_space<hbm>> -> memref<100000xf32, #tpu.memory_space<hbm>>
    %dma_wait3A_47 = arith.constant 0 : i32
    %dma_wait3A_48 = tpu.memref_slice %arg3[%mul3A_2, %dma_wait3A_47] : memref<64x100000xf32, #tpu.memory_space<hbm>> -> memref<1x100000xf32, #tpu.memory_space<hbm>>
    %dma_wait3A_49 = tpu.memref_squeeze %dma_wait3A_48 : memref<1x100000xf32, #tpu.memory_space<hbm>> -> memref<100000xf32, #tpu.memory_space<hbm>>
    tpu.wait_dma2 semaphore(%arg11 : memref<!tpu.dma_semaphore, #tpu.memory_space<semaphore_mem>>) src(%dma_wait3A_49 : memref<100000xf32, #tpu.memory_space<hbm>>) dst(%arg5 : memref<100000xf32, #tpu.memory_space<vmem>>)
    %scan3A = arith.constant 0 : i32
    %scan3A_50 = arith.constant 0 : i32
    %scan3A_51 = arith.constant 25 : i32
    %scan3A_52 = arith.addi %scan3A_50, %scan3A_51 : i32
    %scan3A_53 = arith.constant 1 : i32
    scf.for %scan3A_101 = %scan3A_50 to %scan3A_52 step %scan3A_53  : i32 {
      %mul3A_102 = arith.constant 2 : i32
      %mul3A_103 = arith.muli %mul3A_102, %scan3A_101 : i32
      %add3A_104 = arith.constant 0 : i32
      %add3A_105 = arith.addi %mul3A_103, %add3A_104 : i32
      %dma_wait3A_106 = arith.constant 0 : i32
      %dma_wait3A_107 = arith.constant 0 : i32
      %dma_wait3A_108 = tpu.memref_slice %arg2[%dma_wait3A_106, %dma_wait3A_107] : memref<50x4096xi32, #tpu.memory_space<hbm>> -> memref<1x4096xi32, #tpu.memory_space<hbm>>
      %dma_wait3A_109 = tpu.memref_squeeze %dma_wait3A_108 : memref<1x4096xi32, #tpu.memory_space<hbm>> -> memref<4096xi32, #tpu.memory_space<hbm>>
      %dma_wait3A_110 = arith.constant 0 : i32
      %dma_wait3A_111 = tpu.memref_slice %arg2[%dma_wait3A_106, %dma_wait3A_110] : memref<50x4096xi32, #tpu.memory_space<hbm>> -> memref<1x4096xi32, #tpu.memory_space<hbm>>
      %dma_wait3A_112 = tpu.memref_squeeze %dma_wait3A_111 : memref<1x4096xi32, #tpu.memory_space<hbm>> -> memref<4096xi32, #tpu.memory_space<hbm>>
      tpu.wait_dma2 semaphore(%arg12 : memref<!tpu.dma_semaphore, #tpu.memory_space<semaphore_mem>>) src(%dma_wait3A_112 : memref<4096xi32, #tpu.memory_space<hbm>>) dst(%arg6 : memref<4096xi32, #tpu.memory_space<vmem>>)
      %gt3A = arith.constant 0 : i32
      %gt3A_113 = arith.cmpi sgt, %scan3A_101, %gt3A : i32
      %convert_element_type3A_114 = arith.extui %gt3A_113 : i1 to i32
      %cond3A_115 = arith.constant 0 : i32
      %cond3A_116 = arith.cmpi ne, %convert_element_type3A_114, %cond3A_115 : i32
      scf.if %cond3A_116 {
        %dma_wait3A_164 = arith.constant 0 : i32
        %dma_wait3A_165 = arith.constant 0 : i32
        %dma_wait3A_166 = arith.constant 0 : i32
        %dma_wait3A_167 = tpu.memref_slice %arg4[%dma_wait3A_164, %dma_wait3A_165, %dma_wait3A_166] : memref<50x64x4096xf32, #tpu.memory_space<hbm>> -> memref<1x1x4096xf32, #tpu.memory_space<hbm>>
        %dma_wait3A_168 = tpu.memref_squeeze %dma_wait3A_167 : memref<1x1x4096xf32, #tpu.memory_space<hbm>> -> memref<4096xf32, #tpu.memory_space<hbm>>
        %dma_wait3A_169 = arith.constant 0 : i32
        %dma_wait3A_170 = tpu.memref_slice %arg4[%dma_wait3A_164, %dma_wait3A_165, %dma_wait3A_169] : memref<50x64x4096xf32, #tpu.memory_space<hbm>> -> memref<1x1x4096xf32, #tpu.memory_space<hbm>>
        %dma_wait3A_171 = tpu.memref_squeeze %dma_wait3A_170 : memref<1x1x4096xf32, #tpu.memory_space<hbm>> -> memref<4096xf32, #tpu.memory_space<hbm>>
        tpu.wait_dma2 semaphore(%arg14 : memref<!tpu.dma_semaphore, #tpu.memory_space<semaphore_mem>>) src(%arg8 : memref<4096xf32, #tpu.memory_space<vmem>>) dst(%dma_wait3A_171 : memref<4096xf32, #tpu.memory_space<hbm>>)
      } else {
      }
      %parallel_loop3A = arith.constant 0 : i32
      %parallel_loop3A_117 = arith.constant 4096 : i32
      %parallel_loop3A_118 = arith.constant 16 : i32
      scf.for %parallel_loop3A_164 = %parallel_loop3A to %parallel_loop3A_117 step %parallel_loop3A_118  : i32 {
        %parallel_loop3A_165 = arith.index_cast %parallel_loop3A_164 : i32 to index
        %parallel_loop3A_166 = tpu.vector_load %arg6[%parallel_loop3A_165] {strides = array<i32>} : memref<4096xi32, #tpu.memory_space<vmem>>, vector<16xi32>,
        %parallel_loop3A_167 = tpu.vector_load_idx %arg5[%parallel_loop3A_166] : memref<100000xf32, #tpu.memory_space<vmem>>[vector<16xi32>], vector<16xf32>,
        %parallel_loop3A_168 = arith.index_cast %parallel_loop3A_164 : i32 to index
        %parallel_loop3A_169 = tpu.vector_load %arg8[%parallel_loop3A_168] {strides = array<i32>} : memref<4096xf32, #tpu.memory_space<vmem>>, vector<16xf32>,
        tpu.vector_store %arg8[%parallel_loop3A_168], %parallel_loop3A_167 {strides = array<i32>} : memref<4096xf32, #tpu.memory_space<vmem>>, vector<16xf32>,
      } {sc.loop_unroll_factor = 16 : i64, sc.parallel_access}
      %dma_start3A_119 = arith.constant 0 : i32
      %dma_start3A_120 = tpu.memref_slice %arg4[%add3A_105, %add3A_36, %dma_start3A_119] : memref<50x64x4096xf32, #tpu.memory_space<hbm>> -> memref<1x1x4096xf32, #tpu.memory_space<hbm>>
      %dma_start3A_121 = tpu.memref_squeeze %dma_start3A_120 : memref<1x1x4096xf32, #tpu.memory_space<hbm>> -> memref<4096xf32, #tpu.memory_space<hbm>>
      %dma_start3A_122 = arith.constant 0 : i32
      %dma_start3A_123 = tpu.memref_slice %arg4[%add3A_105, %add3A_36, %dma_start3A_122] : memref<50x64x4096xf32, #tpu.memory_space<hbm>> -> memref<1x1x4096xf32, #tpu.memory_space<hbm>>
      %dma_start3A_124 = tpu.memref_squeeze %dma_start3A_123 : memref<1x1x4096xf32, #tpu.memory_space<hbm>> -> memref<4096xf32, #tpu.memory_space<hbm>>
      tpu.enqueue_dma source(%arg8 : memref<4096xf32, #tpu.memory_space<vmem>>) target(%dma_start3A_124 : memref<4096xf32, #tpu.memory_space<hbm>>) target_semaphore(%arg14 : memref<!tpu.dma_semaphore, #tpu.memory_space<semaphore_mem>>)
      %add3A_125 = arith.constant 1 : i32
      %add3A_126 = arith.addi %scan3A_101, %add3A_125 : i32
      %lt3A_127 = arith.constant 25 : i32
      %lt3A_128 = arith.cmpi slt, %add3A_126, %lt3A_127 : i32
      %convert_element_type3A_129 = arith.extui %lt3A_128 : i1 to i32
      %cond3A_130 = arith.constant 0 : i32
      %cond3A_131 = arith.cmpi ne, %convert_element_type3A_129, %cond3A_130 : i32
      scf.if %cond3A_131 {
        %add3A_164 = arith.constant 2 : i32
        %add3A_165 = arith.addi %add3A_105, %add3A_164 : i32
        %mul3A_166 = arith.constant 4096 : i32
        %mul3A_167 = arith.muli %add3A_165, %mul3A_166 : i32
        %dma_start3A_168 = tpu.memref_slice %arg10[%mul3A_167] : memref<204800xi32, #tpu.memory_space<vmem_shared>> -> memref<4096xi32, #tpu.memory_space<vmem_shared>>
        %dma_start3A_169 = tpu.memref_slice %arg10[%mul3A_167] : memref<204800xi32, #tpu.memory_space<vmem_shared>> -> memref<4096xi32, #tpu.memory_space<vmem_shared>>
        tpu.enqueue_dma source(%dma_start3A_169 : memref<4096xi32, #tpu.memory_space<vmem_shared>>) target(%arg6 : memref<4096xi32, #tpu.memory_space<vmem>>) target_semaphore(%arg12 : memref<!tpu.dma_semaphore, #tpu.memory_space<semaphore_mem>>)
      } else {
      }
      %mul3A_132 = arith.constant 2 : i32
      %mul3A_133 = arith.muli %mul3A_132, %scan3A_101 : i32
      %add3A_134 = arith.constant 1 : i32
      %add3A_135 = arith.addi %mul3A_133, %add3A_134 : i32
      %dma_wait3A_136 = arith.constant 0 : i32
      %dma_wait3A_137 = arith.constant 0 : i32
      %dma_wait3A_138 = tpu.memref_slice %arg2[%dma_wait3A_136, %dma_wait3A_137] : memref<50x4096xi32, #tpu.memory_space<hbm>> -> memref<1x4096xi32, #tpu.memory_space<hbm>>
      %dma_wait3A_139 = tpu.memref_squeeze %dma_wait3A_138 : memref<1x4096xi32, #tpu.memory_space<hbm>> -> memref<4096xi32, #tpu.memory_space<hbm>>
      %dma_wait3A_140 = arith.constant 0 : i32
      %dma_wait3A_141 = tpu.memref_slice %arg2[%dma_wait3A_136, %dma_wait3A_140] : memref<50x4096xi32, #tpu.memory_space<hbm>> -> memref<1x4096xi32, #tpu.memory_space<hbm>>
      %dma_wait3A_142 = tpu.memref_squeeze %dma_wait3A_141 : memref<1x4096xi32, #tpu.memory_space<hbm>> -> memref<4096xi32, #tpu.memory_space<hbm>>
      tpu.wait_dma2 semaphore(%arg13 : memref<!tpu.dma_semaphore, #tpu.memory_space<semaphore_mem>>) src(%dma_wait3A_142 : memref<4096xi32, #tpu.memory_space<hbm>>) dst(%arg7 : memref<4096xi32, #tpu.memory_space<vmem>>)
      %gt3A_143 = arith.constant 0 : i32
      %gt3A_144 = arith.cmpi sgt, %scan3A_101, %gt3A_143 : i32
      %convert_element_type3A_145 = arith.extui %gt3A_144 : i1 to i32
      %cond3A_146 = arith.constant 0 : i32
      %cond3A_147 = arith.cmpi ne, %convert_element_type3A_145, %cond3A_146 : i32
      scf.if %cond3A_147 {
        %dma_wait3A_164 = arith.constant 0 : i32
        %dma_wait3A_165 = arith.constant 0 : i32
        %dma_wait3A_166 = arith.constant 0 : i32
        %dma_wait3A_167 = tpu.memref_slice %arg4[%dma_wait3A_164, %dma_wait3A_165, %dma_wait3A_166] : memref<50x64x4096xf32, #tpu.memory_space<hbm>> -> memref<1x1x4096xf32, #tpu.memory_space<hbm>>
        %dma_wait3A_168 = tpu.memref_squeeze %dma_wait3A_167 : memref<1x1x4096xf32, #tpu.memory_space<hbm>> -> memref<4096xf32, #tpu.memory_space<hbm>>
        %dma_wait3A_169 = arith.constant 0 : i32
        %dma_wait3A_170 = tpu.memref_slice %arg4[%dma_wait3A_164, %dma_wait3A_165, %dma_wait3A_169] : memref<50x64x4096xf32, #tpu.memory_space<hbm>> -> memref<1x1x4096xf32, #tpu.memory_space<hbm>>
        %dma_wait3A_171 = tpu.memref_squeeze %dma_wait3A_170 : memref<1x1x4096xf32, #tpu.memory_space<hbm>> -> memref<4096xf32, #tpu.memory_space<hbm>>
        tpu.wait_dma2 semaphore(%arg15 : memref<!tpu.dma_semaphore, #tpu.memory_space<semaphore_mem>>) src(%arg9 : memref<4096xf32, #tpu.memory_space<vmem>>) dst(%dma_wait3A_171 : memref<4096xf32, #tpu.memory_space<hbm>>)
      } else {
      }
      %parallel_loop3A_148 = arith.constant 0 : i32
      %parallel_loop3A_149 = arith.constant 4096 : i32
      %parallel_loop3A_150 = arith.constant 16 : i32
      scf.for %parallel_loop3A_164 = %parallel_loop3A_148 to %parallel_loop3A_149 step %parallel_loop3A_150  : i32 {
        %parallel_loop3A_165 = arith.index_cast %parallel_loop3A_164 : i32 to index
        %parallel_loop3A_166 = tpu.vector_load %arg7[%parallel_loop3A_165] {strides = array<i32>} : memref<4096xi32, #tpu.memory_space<vmem>>, vector<16xi32>,
        %parallel_loop3A_167 = tpu.vector_load_idx %arg5[%parallel_loop3A_166] : memref<100000xf32, #tpu.memory_space<vmem>>[vector<16xi32>], vector<16xf32>,
        %parallel_loop3A_168 = arith.index_cast %parallel_loop3A_164 : i32 to index
        %parallel_loop3A_169 = tpu.vector_load %arg9[%parallel_loop3A_168] {strides = array<i32>} : memref<4096xf32, #tpu.memory_space<vmem>>, vector<16xf32>,
        tpu.vector_store %arg9[%parallel_loop3A_168], %parallel_loop3A_167 {strides = array<i32>} : memref<4096xf32, #tpu.memory_space<vmem>>, vector<16xf32>,
      } {sc.loop_unroll_factor = 16 : i64, sc.parallel_access}
      %dma_start3A_151 = arith.constant 0 : i32
      %dma_start3A_152 = tpu.memref_slice %arg4[%add3A_135, %add3A_36, %dma_start3A_151] : memref<50x64x4096xf32, #tpu.memory_space<hbm>> -> memref<1x1x4096xf32, #tpu.memory_space<hbm>>
      %dma_start3A_153 = tpu.memref_squeeze %dma_start3A_152 : memref<1x1x4096xf32, #tpu.memory_space<hbm>> -> memref<4096xf32, #tpu.memory_space<hbm>>
      %dma_start3A_154 = arith.constant 0 : i32
      %dma_start3A_155 = tpu.memref_slice %arg4[%add3A_135, %add3A_36, %dma_start3A_154] : memref<50x64x4096xf32, #tpu.memory_space<hbm>> -> memref<1x1x4096xf32, #tpu.memory_space<hbm>>
      %dma_start3A_156 = tpu.memref_squeeze %dma_start3A_155 : memref<1x1x4096xf32, #tpu.memory_space<hbm>> -> memref<4096xf32, #tpu.memory_space<hbm>>
      tpu.enqueue_dma source(%arg9 : memref<4096xf32, #tpu.memory_space<vmem>>) target(%dma_start3A_156 : memref<4096xf32, #tpu.memory_space<hbm>>) target_semaphore(%arg15 : memref<!tpu.dma_semaphore, #tpu.memory_space<semaphore_mem>>)
      %add3A_157 = arith.constant 1 : i32
      %add3A_158 = arith.addi %scan3A_101, %add3A_157 : i32
      %lt3A_159 = arith.constant 25 : i32
      %lt3A_160 = arith.cmpi slt, %add3A_158, %lt3A_159 : i32
      %convert_element_type3A_161 = arith.extui %lt3A_160 : i1 to i32
      %cond3A_162 = arith.constant 0 : i32
      %cond3A_163 = arith.cmpi ne, %convert_element_type3A_161, %cond3A_162 : i32
      scf.if %cond3A_163 {
        %add3A_164 = arith.constant 2 : i32
        %add3A_165 = arith.addi %add3A_135, %add3A_164 : i32
        %mul3A_166 = arith.constant 4096 : i32
        %mul3A_167 = arith.muli %add3A_165, %mul3A_166 : i32
        %dma_start3A_168 = tpu.memref_slice %arg10[%mul3A_167] : memref<204800xi32, #tpu.memory_space<vmem_shared>> -> memref<4096xi32, #tpu.memory_space<vmem_shared>>
        %dma_start3A_169 = tpu.memref_slice %arg10[%mul3A_167] : memref<204800xi32, #tpu.memory_space<vmem_shared>> -> memref<4096xi32, #tpu.memory_space<vmem_shared>>
        tpu.enqueue_dma source(%dma_start3A_169 : memref<4096xi32, #tpu.memory_space<vmem_shared>>) target(%arg7 : memref<4096xi32, #tpu.memory_space<vmem>>) target_semaphore(%arg13 : memref<!tpu.dma_semaphore, #tpu.memory_space<semaphore_mem>>)
      } else {
      }
    }
    %scan3A_54 = arith.constant 25 : i32
    %mul3A_55 = arith.constant 2 : i32
    %mul3A_56 = arith.muli %add3A, %mul3A_55 : i32
    %add3A_57 = arith.constant 1 : i32
    %add3A_58 = arith.addi %mul3A_56, %add3A_57 : i32
    %dma_start3A_59 = arith.constant 0 : i32
    %dma_start3A_60 = tpu.memref_slice %arg3[%add3A_58, %dma_start3A_59] : memref<64x100000xf32, #tpu.memory_space<hbm>> -> memref<1x100000xf32, #tpu.memory_space<hbm>>
    %dma_start3A_61 = tpu.memref_squeeze %dma_start3A_60 : memref<1x100000xf32, #tpu.memory_space<hbm>> -> memref<100000xf32, #tpu.memory_space<hbm>>
    %dma_start3A_62 = arith.constant 0 : i32
    %dma_start3A_63 = tpu.memref_slice %arg3[%add3A_58, %dma_start3A_62] : memref<64x100000xf32, #tpu.memory_space<hbm>> -> memref<1x100000xf32, #tpu.memory_space<hbm>>
    %dma_start3A_64 = tpu.memref_squeeze %dma_start3A_63 : memref<1x100000xf32, #tpu.memory_space<hbm>> -> memref<100000xf32, #tpu.memory_space<hbm>>
    tpu.enqueue_dma source(%dma_start3A_64 : memref<100000xf32, #tpu.memory_space<hbm>>) target(%arg5 : memref<100000xf32, #tpu.memory_space<vmem>>) target_semaphore(%arg11 : memref<!tpu.dma_semaphore, #tpu.memory_space<semaphore_mem>>)
    %dma_start3A_65 = arith.constant 0 : i32
    %dma_start3A_66 = tpu.memref_slice %arg10[%dma_start3A_65] : memref<204800xi32, #tpu.memory_space<vmem_shared>> -> memref<4096xi32, #tpu.memory_space<vmem_shared>>
    %dma_start3A_67 = arith.constant 0 : i32
    %dma_start3A_68 = tpu.memref_slice %arg10[%dma_start3A_67] : memref<204800xi32, #tpu.memory_space<vmem_shared>> -> memref<4096xi32, #tpu.memory_space<vmem_shared>>
    tpu.enqueue_dma source(%dma_start3A_68 : memref<4096xi32, #tpu.memory_space<vmem_shared>>) target(%arg6 : memref<4096xi32, #tpu.memory_space<vmem>>) target_semaphore(%arg12 : memref<!tpu.dma_semaphore, #tpu.memory_space<semaphore_mem>>)
    %dma_start3A_69 = arith.constant 4096 : i32
    %dma_start3A_70 = tpu.memref_slice %arg10[%dma_start3A_69] : memref<204800xi32, #tpu.memory_space<vmem_shared>> -> memref<4096xi32, #tpu.memory_space<vmem_shared>>
    %dma_start3A_71 = arith.constant 4096 : i32
    %dma_start3A_72 = tpu.memref_slice %arg10[%dma_start3A_71] : memref<204800xi32, #tpu.memory_space<vmem_shared>> -> memref<4096xi32, #tpu.memory_space<vmem_shared>>
    tpu.enqueue_dma source(%dma_start3A_72 : memref<4096xi32, #tpu.memory_space<vmem_shared>>) target(%arg7 : memref<4096xi32, #tpu.memory_space<vmem>>) target_semaphore(%arg13 : memref<!tpu.dma_semaphore, #tpu.memory_space<semaphore_mem>>)
    %dma_wait3A_73 = arith.constant 0 : i32
    %dma_wait3A_74 = tpu.memref_slice %arg3[%add3A_58, %dma_wait3A_73] : memref<64x100000xf32, #tpu.memory_space<hbm>> -> memref<1x100000xf32, #tpu.memory_space<hbm>>
    %dma_wait3A_75 = tpu.memref_squeeze %dma_wait3A_74 : memref<1x100000xf32, #tpu.memory_space<hbm>> -> memref<100000xf32, #tpu.memory_space<hbm>>
    %dma_wait3A_76 = arith.constant 0 : i32
    %dma_wait3A_77 = tpu.memref_slice %arg3[%add3A_58, %dma_wait3A_76] : memref<64x100000xf32, #tpu.memory_space<hbm>> -> memref<1x100000xf32, #tpu.memory_space<hbm>>
    %dma_wait3A_78 = tpu.memref_squeeze %dma_wait3A_77 : memref<1x100000xf32, #tpu.memory_space<hbm>> -> memref<100000xf32, #tpu.memory_space<hbm>>
    tpu.wait_dma2 semaphore(%arg11 : memref<!tpu.dma_semaphore, #tpu.memory_space<semaphore_mem>>) src(%dma_wait3A_78 : memref<100000xf32, #tpu.memory_space<hbm>>) dst(%arg5 : memref<100000xf32, #tpu.memory_space<vmem>>)
    %scan3A_79 = arith.constant 0 : i32
    %scan3A_80 = arith.constant 0 : i32
    %scan3A_81 = arith.constant 25 : i32
    %scan3A_82 = arith.addi %scan3A_80, %scan3A_81 : i32
    %scan3A_83 = arith.constant 1 : i32
    scf.for %scan3A_101 = %scan3A_80 to %scan3A_82 step %scan3A_83  : i32 {
      %mul3A_102 = arith.constant 2 : i32
      %mul3A_103 = arith.muli %mul3A_102, %scan3A_101 : i32
      %add3A_104 = arith.constant 0 : i32
      %add3A_105 = arith.addi %mul3A_103, %add3A_104 : i32
      %dma_wait3A_106 = arith.constant 0 : i32
      %dma_wait3A_107 = arith.constant 0 : i32
      %dma_wait3A_108 = tpu.memref_slice %arg2[%dma_wait3A_106, %dma_wait3A_107] : memref<50x4096xi32, #tpu.memory_space<hbm>> -> memref<1x4096xi32, #tpu.memory_space<hbm>>
      %dma_wait3A_109 = tpu.memref_squeeze %dma_wait3A_108 : memref<1x4096xi32, #tpu.memory_space<hbm>> -> memref<4096xi32, #tpu.memory_space<hbm>>
      %dma_wait3A_110 = arith.constant 0 : i32
      %dma_wait3A_111 = tpu.memref_slice %arg2[%dma_wait3A_106, %dma_wait3A_110] : memref<50x4096xi32, #tpu.memory_space<hbm>> -> memref<1x4096xi32, #tpu.memory_space<hbm>>
      %dma_wait3A_112 = tpu.memref_squeeze %dma_wait3A_111 : memref<1x4096xi32, #tpu.memory_space<hbm>> -> memref<4096xi32, #tpu.memory_space<hbm>>
      tpu.wait_dma2 semaphore(%arg12 : memref<!tpu.dma_semaphore, #tpu.memory_space<semaphore_mem>>) src(%dma_wait3A_112 : memref<4096xi32, #tpu.memory_space<hbm>>) dst(%arg6 : memref<4096xi32, #tpu.memory_space<vmem>>)
      %dma_wait3A_113 = arith.constant 0 : i32
      %dma_wait3A_114 = arith.constant 0 : i32
      %dma_wait3A_115 = arith.constant 0 : i32
      %dma_wait3A_116 = tpu.memref_slice %arg4[%dma_wait3A_113, %dma_wait3A_114, %dma_wait3A_115] : memref<50x64x4096xf32, #tpu.memory_space<hbm>> -> memref<1x1x4096xf32, #tpu.memory_space<hbm>>
      %dma_wait3A_117 = tpu.memref_squeeze %dma_wait3A_116 : memref<1x1x4096xf32, #tpu.memory_space<hbm>> -> memref<4096xf32, #tpu.memory_space<hbm>>
      %dma_wait3A_118 = arith.constant 0 : i32
      %dma_wait3A_119 = tpu.memref_slice %arg4[%dma_wait3A_113, %dma_wait3A_114, %dma_wait3A_118] : memref<50x64x4096xf32, #tpu.memory_space<hbm>> -> memref<1x1x4096xf32, #tpu.memory_space<hbm>>
      %dma_wait3A_120 = tpu.memref_squeeze %dma_wait3A_119 : memref<1x1x4096xf32, #tpu.memory_space<hbm>> -> memref<4096xf32, #tpu.memory_space<hbm>>
      tpu.wait_dma2 semaphore(%arg14 : memref<!tpu.dma_semaphore, #tpu.memory_space<semaphore_mem>>) src(%arg8 : memref<4096xf32, #tpu.memory_space<vmem>>) dst(%dma_wait3A_120 : memref<4096xf32, #tpu.memory_space<hbm>>)
      %parallel_loop3A = arith.constant 0 : i32
      %parallel_loop3A_121 = arith.constant 4096 : i32
      %parallel_loop3A_122 = arith.constant 16 : i32
      scf.for %parallel_loop3A_171 = %parallel_loop3A to %parallel_loop3A_121 step %parallel_loop3A_122  : i32 {
        %parallel_loop3A_172 = arith.index_cast %parallel_loop3A_171 : i32 to index
        %parallel_loop3A_173 = tpu.vector_load %arg6[%parallel_loop3A_172] {strides = array<i32>} : memref<4096xi32, #tpu.memory_space<vmem>>, vector<16xi32>,
        %parallel_loop3A_174 = tpu.vector_load_idx %arg5[%parallel_loop3A_173] : memref<100000xf32, #tpu.memory_space<vmem>>[vector<16xi32>], vector<16xf32>,
        %parallel_loop3A_175 = arith.index_cast %parallel_loop3A_171 : i32 to index
        %parallel_loop3A_176 = tpu.vector_load %arg8[%parallel_loop3A_175] {strides = array<i32>} : memref<4096xf32, #tpu.memory_space<vmem>>, vector<16xf32>,
        tpu.vector_store %arg8[%parallel_loop3A_175], %parallel_loop3A_174 {strides = array<i32>} : memref<4096xf32, #tpu.memory_space<vmem>>, vector<16xf32>,
      } {sc.loop_unroll_factor = 16 : i64, sc.parallel_access}
      %dma_start3A_123 = arith.constant 0 : i32
      %dma_start3A_124 = tpu.memref_slice %arg4[%add3A_105, %add3A_58, %dma_start3A_123] : memref<50x64x4096xf32, #tpu.memory_space<hbm>> -> memref<1x1x4096xf32, #tpu.memory_space<hbm>>
      %dma_start3A_125 = tpu.memref_squeeze %dma_start3A_124 : memref<1x1x4096xf32, #tpu.memory_space<hbm>> -> memref<4096xf32, #tpu.memory_space<hbm>>
      %dma_start3A_126 = arith.constant 0 : i32
      %dma_start3A_127 = tpu.memref_slice %arg4[%add3A_105, %add3A_58, %dma_start3A_126] : memref<50x64x4096xf32, #tpu.memory_space<hbm>> -> memref<1x1x4096xf32, #tpu.memory_space<hbm>>
      %dma_start3A_128 = tpu.memref_squeeze %dma_start3A_127 : memref<1x1x4096xf32, #tpu.memory_space<hbm>> -> memref<4096xf32, #tpu.memory_space<hbm>>
      tpu.enqueue_dma source(%arg8 : memref<4096xf32, #tpu.memory_space<vmem>>) target(%dma_start3A_128 : memref<4096xf32, #tpu.memory_space<hbm>>) target_semaphore(%arg14 : memref<!tpu.dma_semaphore, #tpu.memory_space<semaphore_mem>>)
      %add3A_129 = arith.constant 1 : i32
      %add3A_130 = arith.addi %scan3A_101, %add3A_129 : i32
      %lt3A_131 = arith.constant 25 : i32
      %lt3A_132 = arith.cmpi slt, %add3A_130, %lt3A_131 : i32
      %convert_element_type3A_133 = arith.extui %lt3A_132 : i1 to i32
      %cond3A_134 = arith.constant 0 : i32
      %cond3A_135 = arith.cmpi ne, %convert_element_type3A_133, %cond3A_134 : i32
      scf.if %cond3A_135 {
        %add3A_171 = arith.constant 2 : i32
        %add3A_172 = arith.addi %add3A_105, %add3A_171 : i32
        %mul3A_173 = arith.constant 4096 : i32
        %mul3A_174 = arith.muli %add3A_172, %mul3A_173 : i32
        %dma_start3A_175 = tpu.memref_slice %arg10[%mul3A_174] : memref<204800xi32, #tpu.memory_space<vmem_shared>> -> memref<4096xi32, #tpu.memory_space<vmem_shared>>
        %dma_start3A_176 = tpu.memref_slice %arg10[%mul3A_174] : memref<204800xi32, #tpu.memory_space<vmem_shared>> -> memref<4096xi32, #tpu.memory_space<vmem_shared>>
        tpu.enqueue_dma source(%dma_start3A_176 : memref<4096xi32, #tpu.memory_space<vmem_shared>>) target(%arg6 : memref<4096xi32, #tpu.memory_space<vmem>>) target_semaphore(%arg12 : memref<!tpu.dma_semaphore, #tpu.memory_space<semaphore_mem>>)
      } else {
      }
      %mul3A_136 = arith.constant 2 : i32
      %mul3A_137 = arith.muli %mul3A_136, %scan3A_101 : i32
      %add3A_138 = arith.constant 1 : i32
      %add3A_139 = arith.addi %mul3A_137, %add3A_138 : i32
      %dma_wait3A_140 = arith.constant 0 : i32
      %dma_wait3A_141 = arith.constant 0 : i32
      %dma_wait3A_142 = tpu.memref_slice %arg2[%dma_wait3A_140, %dma_wait3A_141] : memref<50x4096xi32, #tpu.memory_space<hbm>> -> memref<1x4096xi32, #tpu.memory_space<hbm>>
      %dma_wait3A_143 = tpu.memref_squeeze %dma_wait3A_142 : memref<1x4096xi32, #tpu.memory_space<hbm>> -> memref<4096xi32, #tpu.memory_space<hbm>>
      %dma_wait3A_144 = arith.constant 0 : i32
      %dma_wait3A_145 = tpu.memref_slice %arg2[%dma_wait3A_140, %dma_wait3A_144] : memref<50x4096xi32, #tpu.memory_space<hbm>> -> memref<1x4096xi32, #tpu.memory_space<hbm>>
      %dma_wait3A_146 = tpu.memref_squeeze %dma_wait3A_145 : memref<1x4096xi32, #tpu.memory_space<hbm>> -> memref<4096xi32, #tpu.memory_space<hbm>>
      tpu.wait_dma2 semaphore(%arg13 : memref<!tpu.dma_semaphore, #tpu.memory_space<semaphore_mem>>) src(%dma_wait3A_146 : memref<4096xi32, #tpu.memory_space<hbm>>) dst(%arg7 : memref<4096xi32, #tpu.memory_space<vmem>>)
      %dma_wait3A_147 = arith.constant 0 : i32
      %dma_wait3A_148 = arith.constant 0 : i32
      %dma_wait3A_149 = arith.constant 0 : i32
      %dma_wait3A_150 = tpu.memref_slice %arg4[%dma_wait3A_147, %dma_wait3A_148, %dma_wait3A_149] : memref<50x64x4096xf32, #tpu.memory_space<hbm>> -> memref<1x1x4096xf32, #tpu.memory_space<hbm>>
      %dma_wait3A_151 = tpu.memref_squeeze %dma_wait3A_150 : memref<1x1x4096xf32, #tpu.memory_space<hbm>> -> memref<4096xf32, #tpu.memory_space<hbm>>
      %dma_wait3A_152 = arith.constant 0 : i32
      %dma_wait3A_153 = tpu.memref_slice %arg4[%dma_wait3A_147, %dma_wait3A_148, %dma_wait3A_152] : memref<50x64x4096xf32, #tpu.memory_space<hbm>> -> memref<1x1x4096xf32, #tpu.memory_space<hbm>>
      %dma_wait3A_154 = tpu.memref_squeeze %dma_wait3A_153 : memref<1x1x4096xf32, #tpu.memory_space<hbm>> -> memref<4096xf32, #tpu.memory_space<hbm>>
      tpu.wait_dma2 semaphore(%arg15 : memref<!tpu.dma_semaphore, #tpu.memory_space<semaphore_mem>>) src(%arg9 : memref<4096xf32, #tpu.memory_space<vmem>>) dst(%dma_wait3A_154 : memref<4096xf32, #tpu.memory_space<hbm>>)
      %parallel_loop3A_155 = arith.constant 0 : i32
      %parallel_loop3A_156 = arith.constant 4096 : i32
      %parallel_loop3A_157 = arith.constant 16 : i32
      scf.for %parallel_loop3A_171 = %parallel_loop3A_155 to %parallel_loop3A_156 step %parallel_loop3A_157  : i32 {
        %parallel_loop3A_172 = arith.index_cast %parallel_loop3A_171 : i32 to index
        %parallel_loop3A_173 = tpu.vector_load %arg7[%parallel_loop3A_172] {strides = array<i32>} : memref<4096xi32, #tpu.memory_space<vmem>>, vector<16xi32>,
        %parallel_loop3A_174 = tpu.vector_load_idx %arg5[%parallel_loop3A_173] : memref<100000xf32, #tpu.memory_space<vmem>>[vector<16xi32>], vector<16xf32>,
        %parallel_loop3A_175 = arith.index_cast %parallel_loop3A_171 : i32 to index
        %parallel_loop3A_176 = tpu.vector_load %arg9[%parallel_loop3A_175] {strides = array<i32>} : memref<4096xf32, #tpu.memory_space<vmem>>, vector<16xf32>,
        tpu.vector_store %arg9[%parallel_loop3A_175], %parallel_loop3A_174 {strides = array<i32>} : memref<4096xf32, #tpu.memory_space<vmem>>, vector<16xf32>,
      } {sc.loop_unroll_factor = 16 : i64, sc.parallel_access}
      %dma_start3A_158 = arith.constant 0 : i32
      %dma_start3A_159 = tpu.memref_slice %arg4[%add3A_139, %add3A_58, %dma_start3A_158] : memref<50x64x4096xf32, #tpu.memory_space<hbm>> -> memref<1x1x4096xf32, #tpu.memory_space<hbm>>
      %dma_start3A_160 = tpu.memref_squeeze %dma_start3A_159 : memref<1x1x4096xf32, #tpu.memory_space<hbm>> -> memref<4096xf32, #tpu.memory_space<hbm>>
      %dma_start3A_161 = arith.constant 0 : i32
      %dma_start3A_162 = tpu.memref_slice %arg4[%add3A_139, %add3A_58, %dma_start3A_161] : memref<50x64x4096xf32, #tpu.memory_space<hbm>> -> memref<1x1x4096xf32, #tpu.memory_space<hbm>>
      %dma_start3A_163 = tpu.memref_squeeze %dma_start3A_162 : memref<1x1x4096xf32, #tpu.memory_space<hbm>> -> memref<4096xf32, #tpu.memory_space<hbm>>
      tpu.enqueue_dma source(%arg9 : memref<4096xf32, #tpu.memory_space<vmem>>) target(%dma_start3A_163 : memref<4096xf32, #tpu.memory_space<hbm>>) target_semaphore(%arg15 : memref<!tpu.dma_semaphore, #tpu.memory_space<semaphore_mem>>)
      %add3A_164 = arith.constant 1 : i32
      %add3A_165 = arith.addi %scan3A_101, %add3A_164 : i32
      %lt3A_166 = arith.constant 25 : i32
      %lt3A_167 = arith.cmpi slt, %add3A_165, %lt3A_166 : i32
      %convert_element_type3A_168 = arith.extui %lt3A_167 : i1 to i32
      %cond3A_169 = arith.constant 0 : i32
      %cond3A_170 = arith.cmpi ne, %convert_element_type3A_168, %cond3A_169 : i32
      scf.if %cond3A_170 {
        %add3A_171 = arith.constant 2 : i32
        %add3A_172 = arith.addi %add3A_139, %add3A_171 : i32
        %mul3A_173 = arith.constant 4096 : i32
        %mul3A_174 = arith.muli %add3A_172, %mul3A_173 : i32
        %dma_start3A_175 = tpu.memref_slice %arg10[%mul3A_174] : memref<204800xi32, #tpu.memory_space<vmem_shared>> -> memref<4096xi32, #tpu.memory_space<vmem_shared>>
        %dma_start3A_176 = tpu.memref_slice %arg10[%mul3A_174] : memref<204800xi32, #tpu.memory_space<vmem_shared>> -> memref<4096xi32, #tpu.memory_space<vmem_shared>>
        tpu.enqueue_dma source(%dma_start3A_176 : memref<4096xi32, #tpu.memory_space<vmem_shared>>) target(%arg7 : memref<4096xi32, #tpu.memory_space<vmem>>) target_semaphore(%arg13 : memref<!tpu.dma_semaphore, #tpu.memory_space<semaphore_mem>>)
      } else {
      }
    }
    %scan3A_84 = arith.constant 25 : i32
    %dma_wait3A_85 = arith.constant 0 : i32
    %dma_wait3A_86 = arith.constant 0 : i32
    %dma_wait3A_87 = arith.constant 0 : i32
    %dma_wait3A_88 = tpu.memref_slice %arg4[%dma_wait3A_85, %dma_wait3A_86, %dma_wait3A_87] : memref<50x64x4096xf32, #tpu.memory_space<hbm>> -> memref<1x1x4096xf32, #tpu.memory_space<hbm>>
    %dma_wait3A_89 = tpu.memref_squeeze %dma_wait3A_88 : memref<1x1x4096xf32, #tpu.memory_space<hbm>> -> memref<4096xf32, #tpu.memory_space<hbm>>
    %dma_wait3A_90 = arith.constant 0 : i32
    %dma_wait3A_91 = tpu.memref_slice %arg4[%dma_wait3A_85, %dma_wait3A_86, %dma_wait3A_90] : memref<50x64x4096xf32, #tpu.memory_space<hbm>> -> memref<1x1x4096xf32, #tpu.memory_space<hbm>>
    %dma_wait3A_92 = tpu.memref_squeeze %dma_wait3A_91 : memref<1x1x4096xf32, #tpu.memory_space<hbm>> -> memref<4096xf32, #tpu.memory_space<hbm>>
    tpu.wait_dma2 semaphore(%arg14 : memref<!tpu.dma_semaphore, #tpu.memory_space<semaphore_mem>>) src(%arg8 : memref<4096xf32, #tpu.memory_space<vmem>>) dst(%dma_wait3A_92 : memref<4096xf32, #tpu.memory_space<hbm>>)
    %dma_wait3A_93 = arith.constant 0 : i32
    %dma_wait3A_94 = arith.constant 0 : i32
    %dma_wait3A_95 = arith.constant 0 : i32
    %dma_wait3A_96 = tpu.memref_slice %arg4[%dma_wait3A_93, %dma_wait3A_94, %dma_wait3A_95] : memref<50x64x4096xf32, #tpu.memory_space<hbm>> -> memref<1x1x4096xf32, #tpu.memory_space<hbm>>
    %dma_wait3A_97 = tpu.memref_squeeze %dma_wait3A_96 : memref<1x1x4096xf32, #tpu.memory_space<hbm>> -> memref<4096xf32, #tpu.memory_space<hbm>>
    %dma_wait3A_98 = arith.constant 0 : i32
    %dma_wait3A_99 = tpu.memref_slice %arg4[%dma_wait3A_93, %dma_wait3A_94, %dma_wait3A_98] : memref<50x64x4096xf32, #tpu.memory_space<hbm>> -> memref<1x1x4096xf32, #tpu.memory_space<hbm>>
    %dma_wait3A_100 = tpu.memref_squeeze %dma_wait3A_99 : memref<1x1x4096xf32, #tpu.memory_space<hbm>> -> memref<4096xf32, #tpu.memory_space<hbm>>
    tpu.wait_dma2 semaphore(%arg15 : memref<!tpu.dma_semaphore, #tpu.memory_space<semaphore_mem>>) src(%arg9 : memref<4096xf32, #tpu.memory_space<vmem>>) dst(%dma_wait3A_100 : memref<4096xf32, #tpu.memory_space<hbm>>)
    return
  }
}

</mosaic_0001>

<sc_bundles>
// kernel: kernel.3.cloned.1.call-start
scs
__scs_entry_jumppad:
0x0: {  	(pc) =	sbr.rel $0x88, $3  }
0x1: {  	(tag) =	ssettag $0x0;
	lr =	simm.s32 $0x1  }
0x2: {  	[smem:$0x3F9F] =	sst lr;
	_ =	strace $0xD0000000  }
0x3: {  	_ = 	snop  }
0x4: {  	_ = 	snop  }
0x5: {  	_ = 	snop  }
0x6: {  	_ = 	snop  }
0x7: {  	_ = 	snop  }
__scs_overlays_trampoline_lowered:
0x8: {  	[smem:$0x3FAE] =	sst s0  }
0x9: {  	[smem:$0x3FAF] =	sst s1  }
0xa: {  	[smem:$0x3FB0] =	sst s2  }
0xb: {  	[smem:$0x3FB1] =	sst s3  }
0xc: {  	[smem:$0x3FB2] =	sst s4  }
0xd: {  	[smem:$0x3FB3] =	sst s5  }
0xe: {  	[smem:$0x3FB4] =	sst s6  }
0xf: {  	[smem:$0x3FB5] =	sst s7  }
0x10: {  	[smem:$0x3FB6] =	sst s8  }
0x11: {  	[smem:$0x3FB7] =	sst s9;
	s0 =	simm.s32 @!p0 $0x0  }
0x12: {  	s1 =	sld [smem:$0x3F9D];
	s0 =	simm.s32 @p0 $0x1  }
0x13: {  	[smem:$0x3FB8] =	sst s0;
	s0 =	simm.s32 @!p1 $0x0  }
0x14: {  	s2 =	sld [smem:$0x3F9C];
	s0 =	simm.s32 @p1 $0x1  }
0x15: {  	[smem:$0x3FB9] =	sst s0;
	s0 =	simm.s32 @!p2 $0x0  }
0x16: {  	s3 =	sld [smem:$0x3FDB];
	s0 =	simm.s32 @p2 $0x1  }
0x17: {  	s4 =	simm.s32 $0x1BF5;
	[smem:$0x3FBB] =	sst s0  }
0x18: {  	s0 =	sld [smem:$0x3F9E];
	_ =	swait.ge [sflag:s4], $0x0  }
0x19: {  	s7 =	sld [smem:$0x3F9F]  }
0x1a: {  	s8 =	sadd.s32 $0xFFFFE003, lr  }
0x1b: {  	s9 =	sadd.s32 $0xFFFFFEF7, lr;
	s5 =	simm.s32 $0xFFFFFFFF;
	p2 =	slt.u32 s8, $0xFFFFF086  }
0x1c: {  	p1 =	slt.u32 s9, $0xF7A;
	s5 =	simm.s32 @!p2 $0x0  }
0x1d: {  	s5 =	simm.s32 @p1 $0x1;
	p0 =	seq.s32 s7, s2  }
0x1e: {  	s7 =	smul.u32 @!p0 $0xF7A, s2;
	p2 =	seq.s32 @!p0 s5, $0x0  }
0x1f: {  	s9 =	smul.u32 $0xF7A, s1;
	s8 =	simm.s32 @!p0 $0x1BF5;
	p2 =	por !p2, p0  }
0x20: {  	[sflag:s8] =	ssyncset.s32 @!p0 $0xFFFFF086;
	s6 =	sadd.s32 @!p0 s3, s7;
	s7 =	simm.s32 @!p0 $0x108  }
0x21: {  	s3 =	sadd.s32 s3, s9;
	s6 =	sadd.s32 @!p0 $0x88, s6;
	s7 =	simm.s32 @p2 $0x1082  }
0x22: {  	[simem:s7], [sflag:s8] =	dma.local @!p0 [hbm:s6], $0xF7A  }
0x23: {  	s9 =	sor.u32 $0xD0000000, s2;
	s6 =	simm.s32 $0x108;
	_ =	swait.ge @!p0 [sflag:s8], $0x0  }
0x24: {  	s3 =	sadd.s32 $0x88, s3;
	s6 =	simm.s32 @!p1 $0x1082;
	[sflag:s4] =	ssyncset.s32 $0xFFFFF086  }
0x25: {  	[simem:s6], [sflag:s4] =	dma.local [hbm:s3], $0xF7A  }
0x26: {  	[smem:$0x3F9F] =	sst s1;
	(tag) =	ssettag s2;
	_ =	strace s9  }
0x27: {  	s1 =	sld [smem:$0x3FAF]  }
0x28: {  	s2 =	sld [smem:$0x3FB0]  }
0x29: {  	s4 =	sld [smem:$0x3FB2]  }
0x2a: {  	p0 =	seq.s32 s5, $0x0;
	s5 =	sld [smem:$0x3FB3]  }
0x2b: {  	s6 =	sld [smem:$0x3FB4]  }
0x2c: {  	s7 =	sld [smem:$0x3FB5]  }
0x2d: {  	s3 =	simm.s32 $0x108;
	s8 =	sld [smem:$0x3FB6]  }
0x2e: {  	s3 =	simm.s32 @!p0 $0x1082;
	s9 =	sld [smem:$0x3FB7]  }
0x2f: {  	lr =	sadd.s32 s0, s3;
	s0 =	sld [smem:$0x3FAE]  }
0x30: {  	s3 =	sld [smem:$0x3FB1]  }
0x31: {  	[smem:$0x3FBA] =	sst s10  }
0x32: {  	s10 =	sld [smem:$0x3FB8];
	_ =	sdelay $0x3  }
0x33: {  	p0 =	seq.s32 s10, $0x1;
	s10 =	sld [smem:$0x3FBA];
	_ =	sdelay $0x3  }
0x34: {  	[smem:$0x3FBA] =	sst s10  }
0x35: {  	s10 =	sld [smem:$0x3FB9];
	_ =	sdelay $0x3  }
0x36: {  	p1 =	seq.s32 s10, $0x1;
	s10 =	sld [smem:$0x3FBA];
	_ =	sdelay $0x3  }
0x37: {  	[smem:$0x3FBA] =	sst s10  }
0x38: {  	s10 =	sld [smem:$0x3FBB]  }
0x39: {  	_ = 	snop;
	(pc) =	sbr.ind lr, $3  }
0x3a: {  	_ = 	snop  }
0x3b: {  	_ = 	snop  }
0x3c: {  	p2 =	seq.s32 s10, $0x1;
	s10 =	sld [smem:$0x3FBA]  }
0x3d: {  	_ =	shalt  }
0x3e: {  	_ =	shalt  }
0x3f: {  	_ =	shalt  }
0x40: {  	_ =	shalt  }
0x41: {  	_ =	shalt  }
0x42: {  	_ =	shalt  }
0x43: {  	_ =	shalt  }
0x44: {  	_ =	shalt  }
0x45: {  	_ =	shalt  }
0x46: {  	_ =	shalt  }
0x47: {  	_ =	shalt  }
0x48: {  	_ =	shalt  }
0x49: {  	_ =	shalt  }
0x4a: {  	_ =	shalt  }
0x4b: {  	_ =	shalt  }
0x4c: {  	_ =	shalt  }
0x4d: {  	_ =	shalt  }
0x4e: {  	_ =	shalt  }
0x4f: {  	_ =	shalt  }
0x50: {  	_ =	shalt  }
0x51: {  	_ =	shalt  }
0x52: {  	_ =	shalt  }
0x53: {  	_ =	shalt  }
0x54: {  	_ =	shalt  }
0x55: {  	_ =	shalt  }
0x56: {  	_ =	shalt  }
0x57: {  	_ =	shalt  }
0x58: {  	_ =	shalt  }
0x59: {  	_ =	shalt  }
0x5a: {  	_ =	shalt  }
0x5b: {  	_ =	shalt  }
0x5c: {  	_ =	shalt  }
0x5d: {  	_ =	shalt  }
0x5e: {  	_ =	shalt  }
0x5f: {  	_ =	shalt  }
0x60: {  	_ =	shalt  }
0x61: {  	_ =	shalt  }
0x62: {  	_ =	shalt  }
0x63: {  	_ =	shalt  }
0x64: {  	_ =	shalt  }
0x65: {  	_ =	shalt  }
0x66: {  	_ =	shalt  }
0x67: {  	_ =	shalt  }
0x68: {  	_ =	shalt  }
0x69: {  	_ =	shalt  }
0x6a: {  	_ =	shalt  }
0x6b: {  	_ =	shalt  }
0x6c: {  	_ =	shalt  }
0x6d: {  	_ =	shalt  }
0x6e: {  	_ =	shalt  }
0x6f: {  	_ =	shalt  }
0x70: {  	_ =	shalt  }
0x71: {  	_ =	shalt  }
0x72: {  	_ =	shalt  }
0x73: {  	_ =	shalt  }
0x74: {  	_ =	shalt  }
0x75: {  	_ =	shalt  }
0x76: {  	_ =	shalt  }
0x77: {  	_ =	shalt  }
0x78: {  	_ =	shalt  }
0x79: {  	_ =	shalt  }
0x7a: {  	_ =	shalt  }
0x7b: {  	_ =	shalt  }
0x7c: {  	_ =	shalt  }
0x7d: {  	_ =	shalt  }
0x7e: {  	_ =	shalt  }
0x7f: {  	_ =	shalt  }
0x80: {  	_ =	shalt  }
0x81: {  	_ =	shalt  }
0x82: {  	_ =	shalt  }
0x83: {  	_ =	shalt  }
0x84: {  	_ =	shalt  }
0x85: {  	_ =	shalt  }
0x86: {  	_ =	shalt  }
0x87: {  	_ =	shalt  }
.Lfunc_end0:
.L_simem_size_0:
called_computation_lowered:
.L_overlay_start_0:
0x88: {  	s2 =	sld [smem:$0x3FD9]  }
0x89: {  	s3 =	sld [smem:$0x3FFE];
	_ =	sdelay $0x1  }
0x8a: {  	s1 =	srdreg.scid  }
0x8b: {  	s0 =	sand.u32 $0x1, s1  }
0x8c: {  	s18 =	sshll.u32 s0, $0xA;
	s2 =	sadd.s32 s3, s2  }
0x8d: {  	s2 =	sadd.s32 s2, s18  }
0x8e: {  	[smem:$0x3FC6] =	sst s2  }
0x8f: {  	_ = 	snop  }
0x90: {  	s2 =	sld [smem:$0x3FC9]  }
0x91: {  	s19 =	sld [smem:$0x3FC8]  }
0x92: {  	s4 =	sld [smem:$0x3FD0];
	(tm) =	ssettm $0x1  }
0x93: {  	s5 =	sld [smem:$0x3FFB];
	_ =	sdelay $0x3  }
0x94: {  	_ =	strace s5  }
0x95: {  	s5 =	sld [smem:$0x3FFC];
	_ =	sdelay $0x3  }
0x96: {  	_ =	strace s5  }
0x97: {  	s5 =	sld [smem:$0x3FFD];
	_ =	sdelay $0x3  }
0x98: {  	_ =	strace s5  }
0x99: {  	_ =	strace $0x8FFFFFFF  }
0x9a: {  	s20 =	sld [smem:$0x3FDB];
	_ =	sdelay $0x1  }
0x9b: {  	s6 =	simm.s32 $_scs_section_size  }
0x9c: {  	s7 =	simm.s32 $_size__tile_overlayer_lowered;
	s8 =	simm.s32 $_tile_overlayer_lowered  }
0x9d: {  	s23 =	simm.s32 $0x1BFF;
	s22 =	sshll.u32 s8, $0x1;
	s5 =	sadd.s32 s6, s20  }
0x9e: {  	s9 =	simm.s32 $0x0;
	s21 =	sshll.u32 s7, $0x1;
	s7 =	sadd.s32 s22, s5  }
0x9f: {  	[timem:s9], [sflag:s23] =	dma.local [hbm:s7], s21  }
0xa0: {  	_ =	swait.ge [sflag:s23], s21  }
0xa1: {  	s6 =	ssub.s32 $0x0, s21;
	[sflag:s23] =	ssyncset.done $0x0  }
0xa2: {  	[sflag:s23] =	ssyncadd.s32 s6;
	_ =	sdelay $0x1  }
0xa3: {  	s24 =	simm.s32 $0x1B8B  }
0xa4: {  	_ =	swait.ge [sflag:s24], $0x1  }
0xa5: {  	[sflag:s24] =	ssyncset.done $0x0  }
0xa6: {  	s25 =	simm.s32 $0x1B8E;
	[sflag:s24] =	ssyncadd.s32 $0xFFFFFFFF  }
0xa7: {  	s26 =	simm.s32 $execute0_lowered;
	[smem:$0x3FD2] =	sst s25  }
0xa8: {  	s6 =	sshll.u32 s26, $0x1;
	_ =	strace $0x80000046;
	[dreg:$0x1] =	wrdreg $0xFFFFFFFF  }
0xa9: {  	s28 =	simm.s32 $_size_execute0_lowered;
	s5 =	sadd.s32 s5, s6;
	[dreg:$0x0] =	wrdreg $0x0  }
0xaa: {  	s6 =	sshll.u32 s28, $0x1;
	[dreg:$0x2] =	wrdreg s5  }
0xab: {  	[dreg:$0x3] =	wrdreg s6  }
0xac: {  	[dreg:$0x4] =	wrdreg $0xC0  }
0xad: {  	_ =	task [dreg:s9], $0x5FFFF  }
0xae: {  	[dreg:$0x1] =	wrdreg $0xFFFFFFFF  }
0xaf: {  	[dreg:$0x0] =	wrdreg $0x60  }
0xb0: {  	[dreg:$0x2] =	wrdreg s2  }
0xb1: {  	[dreg:$0x3] =	wrdreg s19  }
0xb2: {  	[dreg:$0x4] =	wrdreg s4  }
0xb3: {  	[dreg:$0x5] =	wrdreg $0x1C7000  }
0xb4: {  	[dreg:$0x6] =	wrdreg $0x9  }
0xb5: {  	_ =	task.clear_ibuf [dreg:s9], $0x7FFFF;
	_ =	strace $0x90000046  }
0xb6: {  	s29 =	simm.s32 $0x9;
	_ =	strace $0x80000048  }
0xb7: {  	_ =	swait.ge [sflag:s29], $0x1  }
0xb8: {  	[sflag:s29] =	ssyncadd.s32 $0xFFFFFFFF  }
0xb9: {  	_ =	strace $0x90000048  }
0xba: {  	_ =	sfence  }
0xbb: {  	s30 =	sld [smem:$0x0];
	_ =	sdelay $0x2  }
0xbc: {  	s31 =	sshll.u32 s1, $0xD;
	s1 =	sshrl.u32 s1, $0x2  }
0xbd: {  	s3 =	sand.u32 $0x4000, s31;
	s1 =	sadd.s32 s1, s30  }
0xbe: {  	s0 =	sor.u32 s3, s0;
	s1 =	sshll.u32 s1, $0x11  }
0xbf: {  	s0 =	sor.u32 s1, s0  }
0xc0: {  	s0 =	sadd.s32 $0x8F2B, s0  }
0xc1: {  	[sflag:s0] =	ssyncadd.remote.s32 $0x1  }
0xc2: {  	_ =	sfence.sel $0xFFFF  }
0xc3: {  	[dreg:$0x0] =	wrdreg $0xFFFFFFFF;
	(pc) =	sbr.abs _section_cstart, $3  }
0xc4: {  	[dreg:$0x1] =	wrdreg $0xFFFFFFFF  }
0xc5: {  	_ =	task.clear_ibuf [dreg:s9], $0x2FFFF;
	_ =	strace $0x9FFFFFFF  }
0xc6: {  	(tm) =	ssettm $0x7FFFFFFF  }
0xc7: {  	_ =	shalt  }
tec
execute0_lowered:
.L_overlay_start_1:
0x0: {  	(tag) =	ssettag $0x1  }
0x1: {  	s0 =	rddreg [dreg:$0x0]  }
0x2: {  	s3 =	rddreg [dreg:$0x1]  }
0x3: {  	s1 =	rddreg [dreg:$0x2]  }
0x4: {  	s2 =	rddreg [dreg:$0x3];
	s4 =	simm.s32 $0x0  }
0x5: {  	s5 =	srdreg.scid;
	s18 =	stileid.u32;
	s28 =	simm.s32 $0x18700  }
0x6: {  	s30 =	simm.s32 $0x2;
	s31 =	simm.s32 $0x1A700;
	[smem:$0x7FF] =	sst s4  }
0x7: {  	s5 =	sand.u32 $0x1, s5;
	s7 =	sshll.u32 s18, $0x9;
	s8 =	sshrl.u32 s18, $0x1  }
0x8: {  	s29 =	sshll.u32 s18, $0xC;
	s11 =	sshll.u32 s18, $0x7;
	s22 =	sshll.u32 s18, $0x6  }
0x9: {  	s25 =	sshll.u32 s18, $0x4;
	p0 =	sgt.u32 s18, $0x1;
	_ =	strace $0x80000047  }
0xa: {  	s6 =	ssub.s32 $0x2, s5;
	s5 =	sshll.u32 s5, $0x8;
	s7 =	sand.u32 $0x200, s7  }
0xb: {  	s10 =	smul.u32 $0xC3800, s8;
	s13 =	sor.u32 s11, s29;
	s20 =	sor.u32 $0x10000, s29  }
0xc: {  	s15 =	sadd.s32 s29, s2;
	s5 =	sor.u32 s5, s7;
	s9 =	sshrl.u32 s6, $0x1  }
0xd: {  	s17 =	sand.u32 $0x8380, s13;
	s21 =	sor.u32 s11, s20;
	s7 =	sor.u32 $0x20000, s29  }
0xe: {  	[dreg:$0x6] =	wrdreg s15;
	s12 =	sor.u32 s10, s5;
	s6 =	ssub.s32 s6, s9  }
0xf: {  	s19 =	sshrl.u32 s17, $0x3;
	s14 =	sand.u32 $0x18380, s21;
	s11 =	sor.u32 s11, s7  }
0x10: {  	s17 =	sadd.s32 s20, s2;
	s7 =	sadd.s32 s7, s2;
	s20 =	simm.s32 $0x400  }
0x11: {  	s21 =	simm.s32 $0x1;
	s16 =	sshrl.u32 s12, $0x3;
	s23 =	sshrl.u32 s14, $0x3  }
0x12: {  	s11 =	sand.u32 $0x28380, s11;
	s12 =	sor.u32 $0x80, s5;
	s14 =	sadd.s32 $0x1000, s2  }
0x13: {  	s29 =	smax.u32 s6, $0x1;
	s6 =	simm.s32 $0x1B700;
	s9 =	sadd.s32 s3, s16  }
0x14: {  	s24 =	sadd.s32 s0, s23;
	s11 =	sshrl.u32 s11, $0x3;
	s26 =	sor.u32 s10, s12  }
0x15: {  	s16 =	sadd.s32 $0x8000, s1;
	[dreg:$0xc] =	wrdreg s29;
	s23 =	sshrl.u32 s17, $0x3  }
0x16: {  	s10 =	simm.s32 $0x0;
	[dreg:$0x5] =	wrdreg s9;
	s9 =	sadd.s32 s0, s19  }
0x17: {  	[dreg:$0x8] =	wrdreg s24;
	s11 =	sadd.s32 s0, s11;
	s0 =	sadd.s32 s25, s0  }
0x18: {  	s19 =	simm.s32 $0x80;
	s24 =	sshrl.u32 s7, $0x3;
	[dreg:$0x7] =	wrdreg s9  }
0x19: {  	s9 =	sor.u32 $0x1C06, s22;
	[dreg:$0x9] =	wrdreg s11;
	s11 =	sadd.s32 $0x30000, s15  }
0x1a: {  	s0 =	sadd.s32 $0x6000, s0;
	s15 =	sshll.u32 s8, $0xF;
	s22 =	simm.s32 $0x10  }
0x1b: {  	s8 =	simm.s32 $0x4;
	[dreg:$0xa] =	wrdreg s0;
	s0 =	sshrl.u32 s26, $0x3  }
0x1c: {  	s25 =	sshrl.u32 @!p0 s11, $0x3;
	s26 =	simm.s32 $0x6;
	s0 =	sadd.s32 s3, s0  }
0x1d: {  	s3 =	simm.s32 $0x5;
	[dreg:$0xb] =	wrdreg s0;
	s0 =	simm.s32 $0x3  }
.LBB2_1:
0x1e: {  	s7 =	rddreg [dreg:$0x5]  }
0x1f: {  	s13 =	rddreg [dreg:$0x6]  }
0x20: {  	[tilespmem:s4], [sflag:$0x1] =	stream.strided.gather [hbm4b:s7+s19], $0x18700, s20, s19, $0x38;
	[tilespmem:$0x1F900] =	vst v63  }
0x21: {  	s11 =	rddreg [dreg:$0x7];
	s7 =	sshrl.u32 s13, $0x3  }
0x22: {  	[spmem:s7@s22], [sflag:s9] =	dma.strided [hbm:s11@s19], $0x200, s21, $0x10   }
0x23: {  	_ =	swait.ge [sflag:s26], $0x200  }
0x24: {  	[sflag:s26] =	ssyncset.done $0x0  }
0x25: {  	s17 =	rddreg [dreg:$0x8];
	[sflag:s26] =	ssyncadd.s32 $0xFFFFFE00  }
0x26: {  	[spmem:s23@s22], [sflag:s9] =	dma.strided [hbm:s17@s19], $0x200, s21, $0x10   }
0x27: {  	_ =	swait.ge [sflag:s26], $0x200  }
0x28: {  	[sflag:s26] =	ssyncset.done $0x0  }
0x29: {  	s18 =	rddreg [dreg:$0x9];
	[sflag:s26] =	ssyncadd.s32 $0xFFFFFE00  }
0x2a: {  	[spmem:s24@s22], [sflag:s9] =	dma.strided [hbm:s18@s19], $0x200, s21, $0x10   }
0x2b: {  	_ =	swait.ge [sflag:s26], $0x200  }
0x2c: {  	s13 =	simm.s32 @!p0 $0x80;
	s7 =	simm.s32 @!p0 $0x1;
	[sflag:s26] =	ssyncset.done $0x0  }
0x2d: {  	s11 =	simm.s32 @!p0 $0x10;
	s17 =	rddreg [dreg:$0xa];
	[sflag:s26] =	ssyncadd.s32 $0xFFFFFE00  }
0x2e: {  	[spmem:s25@s11], [sflag:s9] =	dma.strided @!p0 [hbm:s17@s13], $0x200, s7, $0x10   }
0x2f: {  	s7 =	simm.s32 @!p0 $0x6  }
0x30: {  	_ =	swait.ge @!p0 [sflag:s7], $0x200  }
0x31: {  	[sflag:s7] =	ssyncset.done @!p0 $0x0  }
0x32: {  	[sflag:s7] =	ssyncadd.s32 @!p0 $0xFFFFFE00  }
0x33: {  	[bflag:$0x0] =	sbarrier.arrive $0xFFFF  }
0x34: {  	[tilespmem:s28], [sflag:$0x2] =	stream.linear.gather [spmem:s2], $0x1000, $0x38;
	[tilespmem:$0x1F900] =	vst v63  }
0x35: {  	s29 =	simm.s32 $0x19700  }
0x36: {  	[tilespmem:s29], [sflag:$0x3] =	stream.linear.gather [spmem:s14], $0x1000, $0x38;
	[tilespmem:$0x1F900] =	vst v63  }
0x37: {  	_ =	swait.ge [sflag:s21], $0x18700  }
0x38: {  	[sflag:s21] =	ssyncset.done $0x0  }
0x39: {  	s11 =	simm.s32 $0x0;
	[sflag:s21] =	ssyncadd.s32 $0xFFFE7900  }
.LBB2_2:
0x3a: {  	_ =	swait.ge [sflag:s30], $0x1000  }
0x3b: {  	p1 =	seq.s32 s11, $0x0;
	[sflag:s30] =	ssyncset.done $0x0  }
0x3c: {  	s7 =	simm.s32 @!p1 $0x4;
	[sflag:s30] =	ssyncadd.s32 $0xFFFFF000  }
0x3d: {  	_ =	swait.ge @!p1 [sflag:s7], $0x1000  }
0x3e: {  	[sflag:s7] =	ssyncset.done @!p1 $0x0  }
0x3f: {  	s29 =	simm.s32 $0x18780;
	[sflag:s7] =	ssyncadd.s32 @!p1 $0xFFFFF000  }
0x40: {  	v0 =	vld [tilespmem:s29+$0x70]  }
0x41: {  	v1 =	vld [tilespmem:s29+$0xFFFFFF90]  }
0x42: {  	v2 =	vld [tilespmem:s29+$0xFFFFFFA0]  }
0x43: {  	v3 =	vld [tilespmem:s29+$0xFFFFFFB0]  }
0x44: {  	v4 =	vld [tilespmem:s29+$0xFFFFFFC0]  }
0x45: {  	v5 =	vld [tilespmem:s29+$0xFFFFFFD0]  }
0x46: {  	v6 =	vld [tilespmem:s29+$0xFFFFFFE0]  }
0x47: {  	v7 =	vld [tilespmem:s29+$0xFFFFFFF0]  }
0x48: {  	v8 =	vld [tilespmem:s29+$0x0]  }
0x49: {  	v9 =	vld [tilespmem:s29+$0x10]  }
0x4a: {  	v10 =	vld [tilespmem:s29+$0x20]  }
0x4b: {  	v11 =	vld [tilespmem:s29+$0x30]  }
0x4c: {  	v12 =	vld [tilespmem:s29+$0x40]  }
0x4d: {  	v13 =	vld [tilespmem:s29+$0x50]  }
0x4e: {  	v14 =	vld [tilespmem:s29+$0x60]  }
0x4f: {  	v15 =	vld [tilespmem:s29+$0xFFFFFF80]  }
0x50: {  	v0 =	vld.idx.msk [tilespmem:v0+s4+$0x0], $0xffff  }
0x51: {  	v1 =	vld.idx.msk [tilespmem:v1+s4+$0x0], $0xffff  }
0x52: {  	v2 =	vld.idx.msk [tilespmem:v2+s4+$0x0], $0xffff  }
0x53: {  	v3 =	vld.idx.msk [tilespmem:v3+s4+$0x0], $0xffff  }
0x54: {  	v4 =	vld.idx.msk [tilespmem:v4+s4+$0x0], $0xffff  }
0x55: {  	s7 =	simm.s32 $0x1A780;
	v5 =	vld.idx.msk [tilespmem:v5+s4+$0x0], $0xffff  }
0x56: {  	v6 =	vld.idx.msk [tilespmem:v6+s4+$0x0], $0xffff;
	[tilespmem:s7+$0x70] =	vst v0  }
0x57: {  	v7 =	vld.idx.msk [tilespmem:v7+s4+$0x0], $0xffff;
	[tilespmem:s7+$0xFFFFFF90] =	vst v1  }
0x58: {  	v15 =	vld.idx.msk [tilespmem:v15+s4+$0x0], $0xffff;
	[tilespmem:s7+$0xFFFFFFA0] =	vst v2  }
0x59: {  	v8 =	vld.idx.msk [tilespmem:v8+s4+$0x0], $0xffff;
	[tilespmem:s7+$0xFFFFFFB0] =	vst v3  }
0x5a: {  	[tilespmem:s7+$0xFFFFFFC0] =	vst v4;
	v0 =	vld.idx.msk [tilespmem:v9+s4+$0x0], $0xffff  }
0x5b: {  	[tilespmem:s7+$0xFFFFFFD0] =	vst v5;
	v1 =	vld.idx.msk [tilespmem:v10+s4+$0x0], $0xffff  }
0x5c: {  	[tilespmem:s7+$0xFFFFFFE0] =	vst v6;
	v2 =	vld.idx.msk [tilespmem:v11+s4+$0x0], $0xffff  }
0x5d: {  	[tilespmem:s7+$0xFFFFFFF0] =	vst v7;
	v3 =	vld.idx.msk [tilespmem:v12+s4+$0x0], $0xffff  }
0x5e: {  	[tilespmem:s7+$0xFFFFFF80] =	vst v15;
	v4 =	vld.idx.msk [tilespmem:v13+s4+$0x0], $0xffff  }
0x5f: {  	s13 =	simm.s32 $0x0;
	s17 =	simm.s32 $0x18880;
	[tilespmem:s7+$0x0] =	vst v8;
	v5 =	vld.idx.msk [tilespmem:v14+s4+$0x0], $0xffff  }
.LBB2_3:
0x60: {  	v6 =	vld [tilespmem:s17+$0x70];
	s13 =	sadd.s32 $0x100, s13;
	[tilespmem:s7+$0x10] =	vst v0  }
0x61: {  	v0 =	vld [tilespmem:s17+$0xFFFFFF90];
	p2 =	slt.u32 s13, $0xF00;
	[tilespmem:s7+$0x20] =	vst v1  }
0x62: {  	v1 =	vld [tilespmem:s17+$0xFFFFFFA0];
	[tilespmem:s7+$0x30] =	vst v2  }
0x63: {  	v2 =	vld [tilespmem:s17+$0xFFFFFFB0];
	[tilespmem:s7+$0x40] =	vst v3  }
0x64: {  	v3 =	vld [tilespmem:s17+$0xFFFFFFC0];
	[tilespmem:s7+$0x50] =	vst v4  }
0x65: {  	v4 =	vld [tilespmem:s17+$0xFFFFFFD0];
	[tilespmem:s7+$0x60] =	vst v5  }
0x66: {  	v5 =	vld [tilespmem:s17+$0xFFFFFFE0]  }
0x67: {  	v7 =	vld [tilespmem:s17+$0xFFFFFFF0]  }
0x68: {  	v6 =	vld.idx.msk [tilespmem:v6+s4+$0x0], $0xffff  }
0x69: {  	v8 =	vld [tilespmem:s17+$0x0]  }
0x6a: {  	v9 =	vld [tilespmem:s17+$0x10]  }
0x6b: {  	v10 =	vld [tilespmem:s17+$0x20]  }
0x6c: {  	v11 =	vld [tilespmem:s17+$0x30]  }
0x6d: {  	s7 =	sadd.s32 $0x100, s7;
	v12 =	vld [tilespmem:s17+$0x40]  }
0x6e: {  	v13 =	vld [tilespmem:s17+$0x50];
	[tilespmem:s7+$0x70] =	vst v6  }
0x6f: {  	v6 =	vld [tilespmem:s17+$0x60]  }
0x70: {  	v14 =	vld [tilespmem:s17+$0xFFFFFF80]  }
0x71: {  	v0 =	vld.idx.msk [tilespmem:v0+s4+$0x0], $0xffff  }
0x72: {  	v1 =	vld.idx.msk [tilespmem:v1+s4+$0x0], $0xffff  }
0x73: {  	v2 =	vld.idx.msk [tilespmem:v2+s4+$0x0], $0xffff  }
0x74: {  	v3 =	vld.idx.msk [tilespmem:v3+s4+$0x0], $0xffff  }
0x75: {  	v4 =	vld.idx.msk [tilespmem:v4+s4+$0x0], $0xffff  }
0x76: {  	v5 =	vld.idx.msk [tilespmem:v5+s4+$0x0], $0xffff  }
0x77: {  	[tilespmem:s7+$0xFFFFFF90] =	vst v0;
	v7 =	vld.idx.msk [tilespmem:v7+s4+$0x0], $0xffff  }
0x78: {  	v14 =	vld.idx.msk [tilespmem:v14+s4+$0x0], $0xffff;
	[tilespmem:s7+$0xFFFFFFA0] =	vst v1  }
0x79: {  	[tilespmem:s7+$0xFFFFFFB0] =	vst v2;
	v8 =	vld.idx.msk [tilespmem:v8+s4+$0x0], $0xffff  }
0x7a: {  	[tilespmem:s7+$0xFFFFFFC0] =	vst v3;
	v0 =	vld.idx.msk [tilespmem:v9+s4+$0x0], $0xffff  }
.Ltmp0:
0x7b: {  	[tilespmem:s7+$0xFFFFFFD0] =	vst v4;
	v1 =	vld.idx.msk [tilespmem:v10+s4+$0x0], $0xffff;
	(pc) =	sbr.rel @p2 .LBB2_3-.Ltmp0, $4  }
0x7c: {  	[tilespmem:s7+$0xFFFFFFE0] =	vst v5;
	v2 =	vld.idx.msk [tilespmem:v11+s4+$0x0], $0xffff  }
0x7d: {  	[tilespmem:s7+$0xFFFFFFF0] =	vst v7;
	v3 =	vld.idx.msk [tilespmem:v12+s4+$0x0], $0xffff  }
0x7e: {  	[tilespmem:s7+$0xFFFFFF80] =	vst v14;
	v4 =	vld.idx.msk [tilespmem:v13+s4+$0x0], $0xffff  }
0x7f: {  	s17 =	sadd.s32 $0x100, s17;
	[tilespmem:s7+$0x0] =	vst v8;
	v5 =	vld.idx.msk [tilespmem:v6+s4+$0x0], $0xffff  }
0x80: {  	[tilespmem:s7+$0x10] =	vst v0  }
0x81: {  	[tilespmem:s7+$0x20] =	vst v1;
	s13 =	sshll.u32 s11, $0x13;
	p2 =	sne.s32 s11, $0x18  }
.Ltmp1:
0x82: {  	[tilespmem:s7+$0x30] =	vst v2;
	s13 =	sor.u32 s13, s15;
	(pc) =	sbr.rel @p2 .LBB2_6-.Ltmp1, $4  }
0x83: {  	[tilespmem:s7+$0x40] =	vst v3;
	s13 =	sor.u32 s5, s13  }
0x84: {  	[tilespmem:s7+$0x50] =	vst v4;
	s13 =	sshrl.u32 s13, $0x3  }
0x85: {  	[tilespmem:s7+$0x60] =	vst v5;
	s29 =	sadd.s32 s1, s13  }
0x86: {  	[hbm4b:s29+s19] =	stream.strided.scatter [tilespmem:s31], [sflag:$0x4], $0x1000, s20, s19, $0x38;
	[tilespmem:$0x1F900] =	vst v63  }
.Ltmp2:
0x87: {  	(pc) =	sbr.rel .LBB2_7-.Ltmp2, $4  }
0x88: {  	_ = 	snop  }
0x89: {  	_ =	swait.ge [sflag:s0], $0x1000  }
0x8a: {  	[sflag:s0] =	ssyncset.done $0x0  }
0x8b: {  	[sflag:s0] =	ssyncadd.s32 $0xFFFFF000  }
.LBB2_6:
0x8c: {  	s7 =	sshll.u32 s11, $0xD  }
0x8d: {  	s7 =	sand.u32 $0x3FFFE000, s7  }
0x8e: {  	s7 =	sadd.s32 s7, s2  }
.Ltmp3:
0x8f: {  	s7 =	sadd.s32 $0x2000, s7;
	(pc) =	sbr.rel @p1 .LBB2_8-.Ltmp3, $4  }
0x90: {  	[tilespmem:s28], [sflag:$0x2] =	stream.linear.gather [spmem:s7], $0x1000, $0x38;
	[tilespmem:$0x1F900] =	vst v63  }
0x91: {  	_ =	swait.ge [sflag:s0], $0x1000  }
0x92: {  	[sflag:s0] =	ssyncset.done $0x0  }
0x93: {  	[sflag:s0] =	ssyncadd.s32 $0xFFFFF000  }
.LBB2_7:
0x94: {  	_ =	swait.ge [sflag:s3], $0x1000  }
0x95: {  	[sflag:s3] =	ssyncset.done $0x0  }
0x96: {  	[sflag:s3] =	ssyncadd.s32 $0xFFFFF000  }
.LBB2_8:
0x97: {  	s7 =	simm.s32 $0x19780  }
0x98: {  	v0 =	vld [tilespmem:s7+$0x70]  }
0x99: {  	v1 =	vld [tilespmem:s7+$0xFFFFFF90]  }
0x9a: {  	v2 =	vld [tilespmem:s7+$0xFFFFFFA0]  }
0x9b: {  	v3 =	vld [tilespmem:s7+$0xFFFFFFB0]  }
0x9c: {  	v4 =	vld [tilespmem:s7+$0xFFFFFFC0]  }
0x9d: {  	v5 =	vld [tilespmem:s7+$0xFFFFFFD0]  }
0x9e: {  	v6 =	vld [tilespmem:s7+$0xFFFFFFE0]  }
0x9f: {  	v7 =	vld [tilespmem:s7+$0xFFFFFFF0]  }
0xa0: {  	v8 =	vld [tilespmem:s7+$0x0]  }
0xa1: {  	v9 =	vld [tilespmem:s7+$0x10]  }
0xa2: {  	v10 =	vld [tilespmem:s7+$0x20]  }
0xa3: {  	v11 =	vld [tilespmem:s7+$0x30]  }
0xa4: {  	v12 =	vld [tilespmem:s7+$0x40]  }
0xa5: {  	v13 =	vld [tilespmem:s7+$0x50]  }
0xa6: {  	v14 =	vld [tilespmem:s7+$0x60]  }
0xa7: {  	v15 =	vld [tilespmem:s7+$0xFFFFFF80]  }
0xa8: {  	v0 =	vld.idx.msk [tilespmem:v0+s4+$0x0], $0xffff  }
0xa9: {  	v1 =	vld.idx.msk [tilespmem:v1+s4+$0x0], $0xffff  }
0xaa: {  	v2 =	vld.idx.msk [tilespmem:v2+s4+$0x0], $0xffff  }
0xab: {  	v3 =	vld.idx.msk [tilespmem:v3+s4+$0x0], $0xffff  }
0xac: {  	v4 =	vld.idx.msk [tilespmem:v4+s4+$0x0], $0xffff  }
0xad: {  	s7 =	simm.s32 $0x1B780;
	v5 =	vld.idx.msk [tilespmem:v5+s4+$0x0], $0xffff  }
0xae: {  	v6 =	vld.idx.msk [tilespmem:v6+s4+$0x0], $0xffff;
	[tilespmem:s7+$0x70] =	vst v0  }
0xaf: {  	v7 =	vld.idx.msk [tilespmem:v7+s4+$0x0], $0xffff;
	[tilespmem:s7+$0xFFFFFF90] =	vst v1  }
0xb0: {  	v15 =	vld.idx.msk [tilespmem:v15+s4+$0x0], $0xffff;
	[tilespmem:s7+$0xFFFFFFA0] =	vst v2  }
0xb1: {  	v8 =	vld.idx.msk [tilespmem:v8+s4+$0x0], $0xffff;
	[tilespmem:s7+$0xFFFFFFB0] =	vst v3  }
0xb2: {  	[tilespmem:s7+$0xFFFFFFC0] =	vst v4;
	v0 =	vld.idx.msk [tilespmem:v9+s4+$0x0], $0xffff  }
0xb3: {  	[tilespmem:s7+$0xFFFFFFD0] =	vst v5;
	v1 =	vld.idx.msk [tilespmem:v10+s4+$0x0], $0xffff  }
0xb4: {  	[tilespmem:s7+$0xFFFFFFE0] =	vst v6;
	v2 =	vld.idx.msk [tilespmem:v11+s4+$0x0], $0xffff  }
0xb5: {  	[tilespmem:s7+$0xFFFFFFF0] =	vst v7;
	v3 =	vld.idx.msk [tilespmem:v12+s4+$0x0], $0xffff  }
0xb6: {  	[tilespmem:s7+$0xFFFFFF80] =	vst v15;
	v4 =	vld.idx.msk [tilespmem:v13+s4+$0x0], $0xffff  }
0xb7: {  	s17 =	sadd.s32 $0x1, s11;
	s29 =	simm.s32 $0x0;
	s18 =	simm.s32 $0x19880;
	[tilespmem:s7+$0x0] =	vst v8;
	v5 =	vld.idx.msk [tilespmem:v14+s4+$0x0], $0xffff  }
.LBB2_9:
0xb8: {  	v6 =	vld [tilespmem:s18+$0x70];
	s29 =	sadd.s32 $0x100, s29;
	[tilespmem:s7+$0x10] =	vst v0  }
0xb9: {  	v0 =	vld [tilespmem:s18+$0xFFFFFF90];
	p1 =	slt.u32 s29, $0xF00;
	[tilespmem:s7+$0x20] =	vst v1  }
0xba: {  	v1 =	vld [tilespmem:s18+$0xFFFFFFA0];
	[tilespmem:s7+$0x30] =	vst v2  }
0xbb: {  	v2 =	vld [tilespmem:s18+$0xFFFFFFB0];
	[tilespmem:s7+$0x40] =	vst v3  }
0xbc: {  	v3 =	vld [tilespmem:s18+$0xFFFFFFC0];
	[tilespmem:s7+$0x50] =	vst v4  }
0xbd: {  	v4 =	vld [tilespmem:s18+$0xFFFFFFD0];
	[tilespmem:s7+$0x60] =	vst v5  }
0xbe: {  	v5 =	vld [tilespmem:s18+$0xFFFFFFE0]  }
0xbf: {  	v7 =	vld [tilespmem:s18+$0xFFFFFFF0]  }
0xc0: {  	v6 =	vld.idx.msk [tilespmem:v6+s4+$0x0], $0xffff  }
0xc1: {  	v8 =	vld [tilespmem:s18+$0x0]  }
0xc2: {  	v9 =	vld [tilespmem:s18+$0x10]  }
0xc3: {  	v10 =	vld [tilespmem:s18+$0x20]  }
0xc4: {  	v11 =	vld [tilespmem:s18+$0x30]  }
0xc5: {  	s7 =	sadd.s32 $0x100, s7;
	v12 =	vld [tilespmem:s18+$0x40]  }
0xc6: {  	v13 =	vld [tilespmem:s18+$0x50];
	[tilespmem:s7+$0x70] =	vst v6  }
0xc7: {  	v6 =	vld [tilespmem:s18+$0x60]  }
0xc8: {  	v14 =	vld [tilespmem:s18+$0xFFFFFF80]  }
0xc9: {  	v0 =	vld.idx.msk [tilespmem:v0+s4+$0x0], $0xffff  }
0xca: {  	v1 =	vld.idx.msk [tilespmem:v1+s4+$0x0], $0xffff  }
0xcb: {  	v2 =	vld.idx.msk [tilespmem:v2+s4+$0x0], $0xffff  }
0xcc: {  	v3 =	vld.idx.msk [tilespmem:v3+s4+$0x0], $0xffff  }
0xcd: {  	v4 =	vld.idx.msk [tilespmem:v4+s4+$0x0], $0xffff  }
0xce: {  	v5 =	vld.idx.msk [tilespmem:v5+s4+$0x0], $0xffff  }
0xcf: {  	[tilespmem:s7+$0xFFFFFF90] =	vst v0;
	v7 =	vld.idx.msk [tilespmem:v7+s4+$0x0], $0xffff  }
0xd0: {  	v14 =	vld.idx.msk [tilespmem:v14+s4+$0x0], $0xffff;
	[tilespmem:s7+$0xFFFFFFA0] =	vst v1  }
0xd1: {  	[tilespmem:s7+$0xFFFFFFB0] =	vst v2;
	v8 =	vld.idx.msk [tilespmem:v8+s4+$0x0], $0xffff  }
0xd2: {  	[tilespmem:s7+$0xFFFFFFC0] =	vst v3;
	v0 =	vld.idx.msk [tilespmem:v9+s4+$0x0], $0xffff  }
.Ltmp4:
0xd3: {  	[tilespmem:s7+$0xFFFFFFD0] =	vst v4;
	v1 =	vld.idx.msk [tilespmem:v10+s4+$0x0], $0xffff;
	(pc) =	sbr.rel @p1 .LBB2_9-.Ltmp4, $4  }
0xd4: {  	[tilespmem:s7+$0xFFFFFFE0] =	vst v5;
	v2 =	vld.idx.msk [tilespmem:v11+s4+$0x0], $0xffff  }
0xd5: {  	[tilespmem:s7+$0xFFFFFFF0] =	vst v7;
	v3 =	vld.idx.msk [tilespmem:v12+s4+$0x0], $0xffff  }
0xd6: {  	[tilespmem:s7+$0xFFFFFF80] =	vst v14;
	v4 =	vld.idx.msk [tilespmem:v13+s4+$0x0], $0xffff  }
0xd7: {  	s18 =	sadd.s32 $0x100, s18;
	[tilespmem:s7+$0x0] =	vst v8;
	v5 =	vld.idx.msk [tilespmem:v6+s4+$0x0], $0xffff  }
0xd8: {  	[tilespmem:s7+$0x10] =	vst v0  }
0xd9: {  	[tilespmem:s7+$0x20] =	vst v1  }
0xda: {  	[tilespmem:s7+$0x30] =	vst v2  }
0xdb: {  	[tilespmem:s7+$0x40] =	vst v3  }
0xdc: {  	p1 =	seq.s32 s11, $0x18;
	[tilespmem:s7+$0x50] =	vst v4  }
0xdd: {  	s29 =	sadd.s32 s13, s16;
	[tilespmem:s7+$0x60] =	vst v5;
	s7 =	sshll.u32 @!p1 s11, $0xD  }
0xde: {  	[hbm4b:s29+s19] =	stream.strided.scatter [tilespmem:s6], [sflag:$0x5], $0x1000, s20, s19, $0x38;
	[tilespmem:$0x1F900] =	vst v63  }
0xdf: {  	s7 =	sand.u32 @!p1 $0x3FFFE000, s7  }
0xe0: {  	s7 =	sadd.s32 @!p1 s7, s2  }
0xe1: {  	p2 =	sne.s32 @!p1 s17, $0x19;
	s11 =	simm.s32 @!p1 $0x19700;
	s7 =	sadd.s32 @!p1 $0x3000, s7  }
0xe2: {  	[tilespmem:s11], [sflag:$0x3] =	stream.linear.gather @!p1 [spmem:s7], $0x1000, $0x38;
	[tilespmem:$0x1F900] =	vst v63  }
0xe3: {  	p1 =	por p1, !p2  }
.Ltmp5:
0xe4: {  	_ = 	snop;
	(pc) =	sbr.rel @!p1 .LBB2_2-.Ltmp5, $2  }
0xe5: {  	_ =	sdelay $0x2  }
0xe6: {  	s11 =	smov.u32 s17  }
0xe7: {  	s11 =	simm.s32 $0x0;
	s7 =	rddreg [dreg:$0xb]  }
0xe8: {  	[tilespmem:s11], [sflag:$0x1] =	stream.strided.gather [hbm4b:s7+s19], $0x18700, s20, s19, $0x38;
	[tilespmem:$0x1F900] =	vst v63  }
0xe9: {  	_ = 	snop  }
0xea: {  	[tilespmem:s28], [sflag:$0x2] =	stream.linear.gather [spmem:s2], $0x1000, $0x38;
	[tilespmem:$0x1F900] =	vst v63  }
0xeb: {  	s29 =	simm.s32 $0x19700  }
0xec: {  	[tilespmem:s29], [sflag:$0x3] =	stream.linear.gather [spmem:s14], $0x1000, $0x38;
	[tilespmem:$0x1F900] =	vst v63  }
0xed: {  	_ =	swait.ge [sflag:s21], $0x18700  }
0xee: {  	[sflag:s21] =	ssyncset.done $0x0  }
0xef: {  	[sflag:s21] =	ssyncadd.s32 $0xFFFE7900  }
.LBB2_12:
0xf0: {  	_ =	swait.ge [sflag:s30], $0x1000  }
0xf1: {  	[sflag:s30] =	ssyncset.done $0x0  }
0xf2: {  	[sflag:s30] =	ssyncadd.s32 $0xFFFFF000  }
0xf3: {  	_ =	swait.ge [sflag:s8], $0x1000  }
0xf4: {  	[sflag:s8] =	ssyncset.done $0x0  }
0xf5: {  	s7 =	simm.s32 $0x18780;
	[sflag:s8] =	ssyncadd.s32 $0xFFFFF000  }
0xf6: {  	v0 =	vld [tilespmem:s7+$0x70]  }
0xf7: {  	v1 =	vld [tilespmem:s7+$0xFFFFFF90]  }
0xf8: {  	v2 =	vld [tilespmem:s7+$0xFFFFFFA0]  }
0xf9: {  	v3 =	vld [tilespmem:s7+$0xFFFFFFB0]  }
0xfa: {  	v4 =	vld [tilespmem:s7+$0xFFFFFFC0]  }
0xfb: {  	v5 =	vld [tilespmem:s7+$0xFFFFFFD0]  }
0xfc: {  	v6 =	vld [tilespmem:s7+$0xFFFFFFE0]  }
0xfd: {  	v7 =	vld [tilespmem:s7+$0xFFFFFFF0]  }
0xfe: {  	v8 =	vld [tilespmem:s7+$0x0]  }
0xff: {  	v9 =	vld [tilespmem:s7+$0x10]  }
0x100: {  	v10 =	vld [tilespmem:s7+$0x20]  }
0x101: {  	v11 =	vld [tilespmem:s7+$0x30]  }
0x102: {  	v12 =	vld [tilespmem:s7+$0x40]  }
0x103: {  	v13 =	vld [tilespmem:s7+$0x50]  }
0x104: {  	v14 =	vld [tilespmem:s7+$0x60]  }
0x105: {  	v15 =	vld [tilespmem:s7+$0xFFFFFF80]  }
0x106: {  	v0 =	vld.idx.msk [tilespmem:v0+s4+$0x0], $0xffff  }
0x107: {  	v1 =	vld.idx.msk [tilespmem:v1+s4+$0x0], $0xffff  }
0x108: {  	v2 =	vld.idx.msk [tilespmem:v2+s4+$0x0], $0xffff  }
0x109: {  	v3 =	vld.idx.msk [tilespmem:v3+s4+$0x0], $0xffff  }
0x10a: {  	v4 =	vld.idx.msk [tilespmem:v4+s4+$0x0], $0xffff  }
0x10b: {  	s7 =	simm.s32 $0x1A780;
	v5 =	vld.idx.msk [tilespmem:v5+s4+$0x0], $0xffff  }
0x10c: {  	v6 =	vld.idx.msk [tilespmem:v6+s4+$0x0], $0xffff;
	[tilespmem:s7+$0x70] =	vst v0  }
0x10d: {  	v7 =	vld.idx.msk [tilespmem:v7+s4+$0x0], $0xffff;
	[tilespmem:s7+$0xFFFFFF90] =	vst v1  }
0x10e: {  	v15 =	vld.idx.msk [tilespmem:v15+s4+$0x0], $0xffff;
	[tilespmem:s7+$0xFFFFFFA0] =	vst v2  }
0x10f: {  	v8 =	vld.idx.msk [tilespmem:v8+s4+$0x0], $0xffff;
	[tilespmem:s7+$0xFFFFFFB0] =	vst v3  }
0x110: {  	[tilespmem:s7+$0xFFFFFFC0] =	vst v4;
	v0 =	vld.idx.msk [tilespmem:v9+s4+$0x0], $0xffff  }
0x111: {  	[tilespmem:s7+$0xFFFFFFD0] =	vst v5;
	v1 =	vld.idx.msk [tilespmem:v10+s4+$0x0], $0xffff  }
0x112: {  	[tilespmem:s7+$0xFFFFFFE0] =	vst v6;
	v2 =	vld.idx.msk [tilespmem:v11+s4+$0x0], $0xffff  }
0x113: {  	[tilespmem:s7+$0xFFFFFFF0] =	vst v7;
	v3 =	vld.idx.msk [tilespmem:v12+s4+$0x0], $0xffff  }
0x114: {  	[tilespmem:s7+$0xFFFFFF80] =	vst v15;
	v4 =	vld.idx.msk [tilespmem:v13+s4+$0x0], $0xffff  }
0x115: {  	s13 =	simm.s32 $0x0;
	s17 =	simm.s32 $0x18880;
	[tilespmem:s7+$0x0] =	vst v8;
	v5 =	vld.idx.msk [tilespmem:v14+s4+$0x0], $0xffff  }
.LBB2_13:
0x116: {  	v6 =	vld [tilespmem:s17+$0x70];
	s13 =	sadd.s32 $0x100, s13;
	[tilespmem:s7+$0x10] =	vst v0  }
0x117: {  	v0 =	vld [tilespmem:s17+$0xFFFFFF90];
	p1 =	slt.u32 s13, $0xF00;
	[tilespmem:s7+$0x20] =	vst v1  }
0x118: {  	v1 =	vld [tilespmem:s17+$0xFFFFFFA0];
	[tilespmem:s7+$0x30] =	vst v2  }
0x119: {  	v2 =	vld [tilespmem:s17+$0xFFFFFFB0];
	[tilespmem:s7+$0x40] =	vst v3  }
0x11a: {  	v3 =	vld [tilespmem:s17+$0xFFFFFFC0];
	[tilespmem:s7+$0x50] =	vst v4  }
0x11b: {  	v4 =	vld [tilespmem:s17+$0xFFFFFFD0];
	[tilespmem:s7+$0x60] =	vst v5  }
0x11c: {  	v5 =	vld [tilespmem:s17+$0xFFFFFFE0]  }
0x11d: {  	v7 =	vld [tilespmem:s17+$0xFFFFFFF0]  }
0x11e: {  	v6 =	vld.idx.msk [tilespmem:v6+s4+$0x0], $0xffff  }
0x11f: {  	v8 =	vld [tilespmem:s17+$0x0]  }
0x120: {  	v9 =	vld [tilespmem:s17+$0x10]  }
0x121: {  	v10 =	vld [tilespmem:s17+$0x20]  }
0x122: {  	v11 =	vld [tilespmem:s17+$0x30]  }
0x123: {  	s7 =	sadd.s32 $0x100, s7;
	v12 =	vld [tilespmem:s17+$0x40]  }
0x124: {  	v13 =	vld [tilespmem:s17+$0x50];
	[tilespmem:s7+$0x70] =	vst v6  }
0x125: {  	v6 =	vld [tilespmem:s17+$0x60]  }
0x126: {  	v14 =	vld [tilespmem:s17+$0xFFFFFF80]  }
0x127: {  	v0 =	vld.idx.msk [tilespmem:v0+s4+$0x0], $0xffff  }
0x128: {  	v1 =	vld.idx.msk [tilespmem:v1+s4+$0x0], $0xffff  }
0x129: {  	v2 =	vld.idx.msk [tilespmem:v2+s4+$0x0], $0xffff  }
0x12a: {  	v3 =	vld.idx.msk [tilespmem:v3+s4+$0x0], $0xffff  }
0x12b: {  	v4 =	vld.idx.msk [tilespmem:v4+s4+$0x0], $0xffff  }
0x12c: {  	v5 =	vld.idx.msk [tilespmem:v5+s4+$0x0], $0xffff  }
0x12d: {  	[tilespmem:s7+$0xFFFFFF90] =	vst v0;
	v7 =	vld.idx.msk [tilespmem:v7+s4+$0x0], $0xffff  }
0x12e: {  	v14 =	vld.idx.msk [tilespmem:v14+s4+$0x0], $0xffff;
	[tilespmem:s7+$0xFFFFFFA0] =	vst v1  }
0x12f: {  	[tilespmem:s7+$0xFFFFFFB0] =	vst v2;
	v8 =	vld.idx.msk [tilespmem:v8+s4+$0x0], $0xffff  }
0x130: {  	[tilespmem:s7+$0xFFFFFFC0] =	vst v3;
	v0 =	vld.idx.msk [tilespmem:v9+s4+$0x0], $0xffff  }
.Ltmp6:
0x131: {  	[tilespmem:s7+$0xFFFFFFD0] =	vst v4;
	v1 =	vld.idx.msk [tilespmem:v10+s4+$0x0], $0xffff;
	(pc) =	sbr.rel @p1 .LBB2_13-.Ltmp6, $4  }
0x132: {  	[tilespmem:s7+$0xFFFFFFE0] =	vst v5;
	v2 =	vld.idx.msk [tilespmem:v11+s4+$0x0], $0xffff  }
0x133: {  	[tilespmem:s7+$0xFFFFFFF0] =	vst v7;
	v3 =	vld.idx.msk [tilespmem:v12+s4+$0x0], $0xffff  }
0x134: {  	[tilespmem:s7+$0xFFFFFF80] =	vst v14;
	v4 =	vld.idx.msk [tilespmem:v13+s4+$0x0], $0xffff  }
0x135: {  	s17 =	sadd.s32 $0x100, s17;
	[tilespmem:s7+$0x0] =	vst v8;
	v5 =	vld.idx.msk [tilespmem:v6+s4+$0x0], $0xffff  }
0x136: {  	[tilespmem:s7+$0x10] =	vst v0  }
0x137: {  	[tilespmem:s7+$0x20] =	vst v1;
	s13 =	sshll.u32 s11, $0x13  }
0x138: {  	[tilespmem:s7+$0x30] =	vst v2;
	s13 =	sor.u32 s13, s15  }
0x139: {  	[tilespmem:s7+$0x40] =	vst v3;
	s13 =	sor.u32 s12, s13  }
0x13a: {  	p1 =	seq.s32 s11, $0x18;
	[tilespmem:s7+$0x50] =	vst v4;
	s13 =	sshrl.u32 s13, $0x3  }
0x13b: {  	[tilespmem:s7+$0x60] =	vst v5;
	s17 =	sadd.s32 s1, s13;
	s7 =	sshll.u32 @!p1 s11, $0xD  }
0x13c: {  	[hbm4b:s17+s19] =	stream.strided.scatter [tilespmem:s31], [sflag:$0x4], $0x1000, s20, s19, $0x38;
	[tilespmem:$0x1F900] =	vst v63  }
0x13d: {  	s7 =	sand.u32 @!p1 $0x3FFFE000, s7  }
0x13e: {  	s7 =	sadd.s32 @!p1 s7, s2  }
0x13f: {  	s18 =	simm.s32 @!p1 $0x18700;
	s17 =	sadd.s32 @!p1 $0x2000, s7  }
0x140: {  	[tilespmem:s18], [sflag:$0x2] =	stream.linear.gather @!p1 [spmem:s17], $0x1000, $0x38;
	[tilespmem:$0x1F900] =	vst v63  }
0x141: {  	_ =	swait.ge [sflag:s0], $0x1000  }
0x142: {  	[sflag:s0] =	ssyncset.done $0x0  }
0x143: {  	[sflag:s0] =	ssyncadd.s32 $0xFFFFF000  }
0x144: {  	_ =	swait.ge [sflag:s3], $0x1000  }
0x145: {  	[sflag:s3] =	ssyncset.done $0x0  }
0x146: {  	s18 =	simm.s32 $0x19780;
	[sflag:s3] =	ssyncadd.s32 $0xFFFFF000  }
0x147: {  	v0 =	vld [tilespmem:s18+$0x70]  }
0x148: {  	v1 =	vld [tilespmem:s18+$0xFFFFFF90]  }
0x149: {  	v2 =	vld [tilespmem:s18+$0xFFFFFFA0]  }
0x14a: {  	v3 =	vld [tilespmem:s18+$0xFFFFFFB0]  }
0x14b: {  	v4 =	vld [tilespmem:s18+$0xFFFFFFC0]  }
0x14c: {  	v5 =	vld [tilespmem:s18+$0xFFFFFFD0]  }
0x14d: {  	v6 =	vld [tilespmem:s18+$0xFFFFFFE0]  }
0x14e: {  	v7 =	vld [tilespmem:s18+$0xFFFFFFF0]  }
0x14f: {  	v8 =	vld [tilespmem:s18+$0x0]  }
0x150: {  	v9 =	vld [tilespmem:s18+$0x10]  }
0x151: {  	v10 =	vld [tilespmem:s18+$0x20]  }
0x152: {  	v11 =	vld [tilespmem:s18+$0x30]  }
0x153: {  	v12 =	vld [tilespmem:s18+$0x40]  }
0x154: {  	v13 =	vld [tilespmem:s18+$0x50]  }
0x155: {  	v14 =	vld [tilespmem:s18+$0x60]  }
0x156: {  	v15 =	vld [tilespmem:s18+$0xFFFFFF80]  }
0x157: {  	v0 =	vld.idx.msk [tilespmem:v0+s4+$0x0], $0xffff  }
0x158: {  	v1 =	vld.idx.msk [tilespmem:v1+s4+$0x0], $0xffff  }
0x159: {  	v2 =	vld.idx.msk [tilespmem:v2+s4+$0x0], $0xffff  }
0x15a: {  	v3 =	vld.idx.msk [tilespmem:v3+s4+$0x0], $0xffff  }
0x15b: {  	v4 =	vld.idx.msk [tilespmem:v4+s4+$0x0], $0xffff  }
0x15c: {  	s17 =	simm.s32 $0x1B780;
	v5 =	vld.idx.msk [tilespmem:v5+s4+$0x0], $0xffff  }
0x15d: {  	v6 =	vld.idx.msk [tilespmem:v6+s4+$0x0], $0xffff;
	[tilespmem:s17+$0x70] =	vst v0  }
0x15e: {  	v7 =	vld.idx.msk [tilespmem:v7+s4+$0x0], $0xffff;
	[tilespmem:s17+$0xFFFFFF90] =	vst v1  }
0x15f: {  	v15 =	vld.idx.msk [tilespmem:v15+s4+$0x0], $0xffff;
	[tilespmem:s17+$0xFFFFFFA0] =	vst v2  }
0x160: {  	v8 =	vld.idx.msk [tilespmem:v8+s4+$0x0], $0xffff;
	[tilespmem:s17+$0xFFFFFFB0] =	vst v3  }
0x161: {  	[tilespmem:s17+$0xFFFFFFC0] =	vst v4;
	v0 =	vld.idx.msk [tilespmem:v9+s4+$0x0], $0xffff  }
0x162: {  	[tilespmem:s17+$0xFFFFFFD0] =	vst v5;
	v1 =	vld.idx.msk [tilespmem:v10+s4+$0x0], $0xffff  }
0x163: {  	[tilespmem:s17+$0xFFFFFFE0] =	vst v6;
	v2 =	vld.idx.msk [tilespmem:v11+s4+$0x0], $0xffff  }
0x164: {  	[tilespmem:s17+$0xFFFFFFF0] =	vst v7;
	v3 =	vld.idx.msk [tilespmem:v12+s4+$0x0], $0xffff  }
0x165: {  	[tilespmem:s17+$0xFFFFFF80] =	vst v15;
	v4 =	vld.idx.msk [tilespmem:v13+s4+$0x0], $0xffff  }
0x166: {  	s29 =	simm.s32 $0x0;
	s11 =	sadd.s32 $0x1, s11;
	s18 =	simm.s32 $0x19880;
	[tilespmem:s17+$0x0] =	vst v8;
	v5 =	vld.idx.msk [tilespmem:v14+s4+$0x0], $0xffff  }
.LBB2_15:
0x167: {  	v6 =	vld [tilespmem:s18+$0x70];
	s29 =	sadd.s32 $0x100, s29;
	[tilespmem:s17+$0x10] =	vst v0  }
0x168: {  	v0 =	vld [tilespmem:s18+$0xFFFFFF90];
	p2 =	slt.u32 s29, $0xF00;
	[tilespmem:s17+$0x20] =	vst v1  }
0x169: {  	v1 =	vld [tilespmem:s18+$0xFFFFFFA0];
	[tilespmem:s17+$0x30] =	vst v2  }
0x16a: {  	v2 =	vld [tilespmem:s18+$0xFFFFFFB0];
	[tilespmem:s17+$0x40] =	vst v3  }
0x16b: {  	v3 =	vld [tilespmem:s18+$0xFFFFFFC0];
	[tilespmem:s17+$0x50] =	vst v4  }
0x16c: {  	v4 =	vld [tilespmem:s18+$0xFFFFFFD0];
	[tilespmem:s17+$0x60] =	vst v5  }
0x16d: {  	v5 =	vld [tilespmem:s18+$0xFFFFFFE0]  }
0x16e: {  	v7 =	vld [tilespmem:s18+$0xFFFFFFF0]  }
0x16f: {  	v6 =	vld.idx.msk [tilespmem:v6+s4+$0x0], $0xffff  }
0x170: {  	v8 =	vld [tilespmem:s18+$0x0]  }
0x171: {  	v9 =	vld [tilespmem:s18+$0x10]  }
0x172: {  	v10 =	vld [tilespmem:s18+$0x20]  }
0x173: {  	v11 =	vld [tilespmem:s18+$0x30]  }
0x174: {  	s17 =	sadd.s32 $0x100, s17;
	v12 =	vld [tilespmem:s18+$0x40]  }
0x175: {  	v13 =	vld [tilespmem:s18+$0x50];
	[tilespmem:s17+$0x70] =	vst v6  }
0x176: {  	v6 =	vld [tilespmem:s18+$0x60]  }
0x177: {  	v14 =	vld [tilespmem:s18+$0xFFFFFF80]  }
0x178: {  	v0 =	vld.idx.msk [tilespmem:v0+s4+$0x0], $0xffff  }
0x179: {  	v1 =	vld.idx.msk [tilespmem:v1+s4+$0x0], $0xffff  }
0x17a: {  	v2 =	vld.idx.msk [tilespmem:v2+s4+$0x0], $0xffff  }
0x17b: {  	v3 =	vld.idx.msk [tilespmem:v3+s4+$0x0], $0xffff  }
0x17c: {  	v4 =	vld.idx.msk [tilespmem:v4+s4+$0x0], $0xffff  }
0x17d: {  	v5 =	vld.idx.msk [tilespmem:v5+s4+$0x0], $0xffff  }
0x17e: {  	[tilespmem:s17+$0xFFFFFF90] =	vst v0;
	v7 =	vld.idx.msk [tilespmem:v7+s4+$0x0], $0xffff  }
0x17f: {  	v14 =	vld.idx.msk [tilespmem:v14+s4+$0x0], $0xffff;
	[tilespmem:s17+$0xFFFFFFA0] =	vst v1  }
0x180: {  	[tilespmem:s17+$0xFFFFFFB0] =	vst v2;
	v8 =	vld.idx.msk [tilespmem:v8+s4+$0x0], $0xffff  }
0x181: {  	[tilespmem:s17+$0xFFFFFFC0] =	vst v3;
	v0 =	vld.idx.msk [tilespmem:v9+s4+$0x0], $0xffff  }
.Ltmp7:
0x182: {  	[tilespmem:s17+$0xFFFFFFD0] =	vst v4;
	v1 =	vld.idx.msk [tilespmem:v10+s4+$0x0], $0xffff;
	(pc) =	sbr.rel @p2 .LBB2_15-.Ltmp7, $4  }
0x183: {  	[tilespmem:s17+$0xFFFFFFE0] =	vst v5;
	v2 =	vld.idx.msk [tilespmem:v11+s4+$0x0], $0xffff  }
0x184: {  	[tilespmem:s17+$0xFFFFFFF0] =	vst v7;
	v3 =	vld.idx.msk [tilespmem:v12+s4+$0x0], $0xffff  }
0x185: {  	[tilespmem:s17+$0xFFFFFF80] =	vst v14;
	v4 =	vld.idx.msk [tilespmem:v13+s4+$0x0], $0xffff  }
0x186: {  	s18 =	sadd.s32 $0x100, s18;
	[tilespmem:s17+$0x0] =	vst v8;
	v5 =	vld.idx.msk [tilespmem:v6+s4+$0x0], $0xffff  }
0x187: {  	[tilespmem:s17+$0x10] =	vst v0  }
0x188: {  	[tilespmem:s17+$0x20] =	vst v1  }
0x189: {  	[tilespmem:s17+$0x30] =	vst v2  }
0x18a: {  	[tilespmem:s17+$0x40] =	vst v3  }
0x18b: {  	[tilespmem:s17+$0x50] =	vst v4  }
0x18c: {  	s13 =	sadd.s32 s13, s16;
	[tilespmem:s17+$0x60] =	vst v5  }
0x18d: {  	[hbm4b:s13+s19] =	stream.strided.scatter [tilespmem:s6], [sflag:$0x5], $0x1000, s20, s19, $0x38;
	[tilespmem:$0x1F900] =	vst v63  }
0x18e: {  	s7 =	sadd.s32 @!p1 $0x3000, s7;
	p2 =	sne.s32 @!p1 s11, $0x19;
	s13 =	simm.s32 @!p1 $0x19700  }
0x18f: {  	[tilespmem:s13], [sflag:$0x3] =	stream.linear.gather @!p1 [spmem:s7], $0x1000, $0x38;
	[tilespmem:$0x1F900] =	vst v63  }
0x190: {  	p1 =	por p1, !p2  }
.Ltmp8:
0x191: {  	_ = 	snop;
	(pc) =	sbr.rel @!p1 .LBB2_12-.Ltmp8, $1  }
0x192: {  	_ =	sdelay $0x3  }
0x193: {  	_ =	swait.ge [sflag:s8], $0x1000  }
0x194: {  	[sflag:s8] =	ssyncset.done $0x0  }
0x195: {  	[sflag:s8] =	ssyncadd.s32 $0xFFFFF000  }
0x196: {  	_ =	swait.ge [sflag:s3], $0x1000  }
0x197: {  	s10 =	sadd.s32 $0x1, s10;
	s7 =	rddreg [dreg:$0xc]  }
0x198: {  	p1 =	sne.s32 s10, s7  }
.Ltmp9:
0x199: {  	_ = 	snop;
	(pc) =	sbr.rel @p1 .LBB2_1-.Ltmp9, $3  }
0x19a: {  	_ =	sdelay $0x1  }
0x19b: {  	[sflag:s3] =	ssyncset.done $0x0  }
0x19c: {  	[sflag:s3] =	ssyncadd.s32 $0xFFFFF000  }
0x19d: {  	_ =	sfence.sel $0x180000  }
0x19e: {  	[bflag:$0x0] =	sbarrier.arrive $0xFFFF  }
0x19f: {  	_ =	strace $0x90000047  }
0x1a0: {  	s0 =	stileid.u32;
	[bflag:$0x2] =	sbarrier.arrive $0xFFFF  }
0x1a1: {  	p0 =	sne.s32 s0, $0x0;
	s0 =	rddreg [dreg:$0x4]  }
0x1a2: {  	s0 =	sadd.s32 @!p0 $0x100000, s0  }
0x1a3: {  	[sflag:s0] =	ssyncadd.tile.s32 @!p0 $0x1;
	_ =	shalt  }
.Lfunc_end2:
_tile_overlayer_lowered:
.L_overlay_start_2:
0x1a4: {  	(tag) =	ssettag $0x2  }
0x1a5: {  	s0 =	rddreg [dreg:$0x0];
	s2 =	stileid.u32  }
0x1a6: {  	s1 =	rddreg [dreg:$0x1];
	p0 =	sne.s32 s2, $0x0  }
0x1a7: {  	s3 =	rddreg [dreg:$0x2];
	[bflag:$0x3] =	sbarrier.arrive $0xFFFF;
	s2 =	simm.s32 @!p0 $0x1C06  }
0x1a8: {  	[timem:s3], [sflag:s2] =	dma.local @!p0 [hbm:s0], s1  }
0x1a9: {  	s0 =	simm.s32 @!p0 $0x6  }
0x1aa: {  	_ =	swait.ge @!p0 [sflag:s0], s1  }
0x1ab: {  	s1 =	ssub.s32 @!p0 $0x0, s1;
	[sflag:s0] =	ssyncset.done @!p0 $0x0  }
0x1ac: {  	[sflag:s0] =	ssyncadd.s32 @!p0 s1  }
0x1ad: {  	[bflag:$0x3] =	sbarrier.arrive $0xFFFF  }
0x1ae: {  	_ =	shalt  }

</sc_bundles>
